<compile_context>
chip_gen: v7x
topology: tpu7x:2x2x1
jax: 0.10.2.dev20260603
libtpu: 0.0.44.dev20260713+nightly
codegen_flags: <defaults>
</compile_context>

<pallas_src>
import functools

import jax
import jax.numpy as jnp
from jax import lax
from jax.experimental import pallas as pl
from jax.experimental.pallas import tpu as pltpu
from jax.experimental.pallas import tpu_sc as plsc

NUM_WORKERS = 32
BLK = 128
LANES = 16


def _make_sc_spmm(n_pad, d, nb):
    rows_per_tile = n_pad // 16
    mesh = plsc.VectorSubcoreMesh(core_axis_name="c", subcore_axis_name="s")

    @functools.partial(
        pl.kernel,
        out_type=jax.ShapeDtypeStruct((2, n_pad, d), jnp.float32),
        mesh=mesh,
        scratch_types=[
            pltpu.VMEM((nb, BLK), jnp.int32),
            pltpu.VMEM((nb, BLK), jnp.int32),
            pltpu.VMEM((nb, BLK), jnp.float32),
            pltpu.VMEM((BLK, d), jnp.float32),
            pltpu.VMEM_SHARED((n_pad, d), jnp.float32),
            pltpu.SemaphoreType.DMA,
        ],
    )
    def sc_spmm(row_hbm, col_hbm, val_hbm, x_hbm, zpart_hbm,
                row_buf, col_buf, val_buf, rows_v, zsh, gsem):
        c = lax.axis_index("c")
        s = lax.axis_index("s")
        w = c * 16 + s

        pltpu.sync_copy(row_hbm.at[w], row_buf)
        pltpu.sync_copy(col_hbm.at[w], col_buf)
        pltpu.sync_copy(val_hbm.at[w], val_buf)

        zeros = jnp.zeros((LANES,), jnp.float32)

        def zero_row(i, carry):
            for q in range(d // LANES):
                rows_v[i, pl.ds(q * LANES, LANES)] = zeros
            return carry

        lax.fori_loop(0, BLK, zero_row, 0)
        base = s * rows_per_tile
        off = 0
        while off < rows_per_tile:
            seg = min(BLK, rows_per_tile - off)
            pltpu.sync_copy(rows_v.at[pl.ds(0, seg)],
                            zsh.at[pl.ds(base + off, seg)])
            off += seg
        plsc.subcore_barrier()

        def do_block(j, carry):
            pltpu.async_copy(x_hbm.at[col_buf.at[j]], rows_v, gsem).wait()

            def scale_group(g, inner):
                vgrp = val_buf[j, pl.ds(g * LANES, LANES)]
                for i2 in range(LANES):
                    vsp = jnp.broadcast_to(vgrp[i2], (LANES,))
                    e_i = g * LANES + i2
                    for q in range(d // LANES):
                        sl = pl.ds(q * LANES, LANES)
                        rows_v[e_i, sl] = rows_v[e_i, sl] * vsp
                return inner

            lax.fori_loop(0, BLK // LANES, scale_group, 0)

            pltpu.sync_copy(rows_v, zsh.at[row_buf.at[j]], add=True)
            return carry

        lax.fori_loop(0, nb, do_block, 0)

        plsc.subcore_barrier()
        pltpu.sync_copy(zsh.at[pl.ds(base, rows_per_tile)],
                        zpart_hbm.at[c, pl.ds(base, rows_per_tile)])

    return sc_spmm


def _tc_matmul(zpart, weight, n):
    d = zpart.shape[2]
    d_out = weight.shape[1]
    bm = 1000

    def body(z_ref, w_ref, o_ref):
        z = z_ref[0] + z_ref[1]
        o_ref[...] = jnp.dot(z, w_ref[...],
                             preferred_element_type=jnp.float32,
                             precision=lax.Precision.HIGHEST)

    return pl.pallas_call(
        body,
        grid=(-(-n // bm),),
        in_specs=[
            pl.BlockSpec((2, bm, d), lambda i: (0, i, 0)),
            pl.BlockSpec((d, d_out), lambda i: (0, 0)),
        ],
        out_specs=pl.BlockSpec((bm, d_out), lambda i: (i, 0)),
        out_shape=jax.ShapeDtypeStruct((n, d_out), jnp.float32),
    )(zpart, weight)


def kernel(x, edge_index, edge_vals, weight):
    n, d = x.shape
    e = edge_index.shape[1]
    per = NUM_WORKERS * BLK
    nb = -(-e // per)
    e_pad = per * nb
    pad = e_pad - e

    row = edge_index[0].astype(jnp.int32)
    col = edge_index[1].astype(jnp.int32)
    val = edge_vals.astype(jnp.float32)
    if pad:
        row = jnp.concatenate([row, jnp.zeros((pad,), jnp.int32)])
        col = jnp.concatenate([col, jnp.zeros((pad,), jnp.int32)])
        val = jnp.concatenate([val, jnp.zeros((pad,), jnp.float32)])
    row = row.reshape(NUM_WORKERS, nb, BLK)
    col = col.reshape(NUM_WORKERS, nb, BLK)
    val = val.reshape(NUM_WORKERS, nb, BLK)

    n_pad = -(-n // BLK) * BLK
    zpart = _make_sc_spmm(n_pad, d, nb)(row, col, val, x)
    return _tc_matmul(zpart, weight, n)

# --- scband reference (transcript-rebuilt; emitter-appended) ---
"""Pipeline reference for scband-gcnconv-12154757447817 (READ-ONLY COPY).

The authoritative reference and input builder live on the scoring server;
editing this copy changes nothing except your own understanding.
"""

import jax, jax.numpy as jnp
import numpy as np

N = 10000
E = 320000
D_IN = 128
D_OUT = 128

def setup_inputs(seed: int = 0) -> dict:
    key = jax.random.key(seed)
    k1, k2, k3, k4 = jax.random.split(key, 4)
    x = jax.random.normal(k1, (N, D_IN), dtype=jnp.float32)
    edge_index = jax.random.randint(k2, (2, E), 0, N)
    # values of the (normalized) adjacency matrix entries (ampbyp sparse values)
    edge_vals = jax.random.uniform(k3, (E,), dtype=jnp.float32)
    # weight initialized with torch.rand semantics (uniform [0,1))
    weight = jax.random.uniform(k4, (D_IN, D_OUT), dtype=jnp.float32)
    return {"x": x, "edge_index": edge_index, "edge_vals": edge_vals, "weight": weight}

def reference(x, edge_index, edge_vals, weight):
    # Single-device equivalent of broad_func: z = A @ X via SpMM.
    # ampbyp[i] are COO blocks of A; spmm_gpu accumulates z[row] += val * inputs[col].
    row = edge_index[0]
    col = edge_index[1]
    gathered = jnp.take(x, col, axis=0) * edge_vals[:, None]
    z = jax.ops.segment_sum(gathered, row, num_segments=N)
    # z = z.mm(weight)
    return z @ weight

if __name__ == "__main__":
    import jax
    _d = setup_inputs()
    print(jax.jit(kernel)(*tuple(_d.values())))

</pallas_src>

<mosaic_0001>
#map = affine_map<(d0, d1) -> (0, 0, 0)>
#map1 = affine_map<(d0, d1) -> (0, 0)>
module attributes {stable_mosaic.version = 14 : i64} {
  func.func @sc_spmm(%arg0: i32, %arg1: i32, %arg2: memref<32x79x128xi32, #tpu.memory_space<hbm>>, %arg3: memref<32x79x128xi32, #tpu.memory_space<hbm>>, %arg4: memref<32x79x128xf32, #tpu.memory_space<hbm>>, %arg5: memref<10000x128xf32, #tpu.memory_space<hbm>>, %arg6: memref<2x10112x128xf32, #tpu.memory_space<hbm>>, %arg7: memref<79x128xi32, #tpu.memory_space<vmem>>, %arg8: memref<79x128xi32, #tpu.memory_space<vmem>>, %arg9: memref<79x128xf32, #tpu.memory_space<vmem>>, %arg10: memref<128x128xf32, #tpu.memory_space<vmem>>, %arg11: memref<10112x128xf32, #tpu.memory_space<vmem_shared>>, %arg12: memref<!tpu.dma_semaphore, #tpu.memory_space<semaphore_mem>>) attributes {dimension_semantics = [#tpu.dimension_semantics<core_parallel>, #tpu.dimension_semantics<subcore_parallel>], iteration_bounds = array<i64: 2, 16>, scalar_prefetch = 0 : i64, scratch_operands = 6 : i64, tpu.core_type = #tpu.core_type<sc_vector_subcore>, window_params = [{transform_indices = #map}, {transform_indices = #map}, {transform_indices = #map}, {transform_indices = #map1}, {transform_indices = #map}]} {
    %mul3A = arith.constant 16 : i32
    %mul3A_0 = arith.muli %arg0, %mul3A : i32
    %add3A = arith.addi %mul3A_0, %arg1 : i32
    "tpu.region"() ({
      %run_scoped3A = tpu.sem_alloc : memref<!tpu.dma_semaphore, #tpu.memory_space<semaphore_mem>>
      %dma_start3A = arith.constant 0 : i32
      %dma_start3A_26 = arith.constant 0 : i32
      %dma_start3A_27 = tpu.memref_slice %arg2[%add3A, %dma_start3A, %dma_start3A_26] : memref<32x79x128xi32, #tpu.memory_space<hbm>> -> memref<1x79x128xi32, #tpu.memory_space<hbm>>
      %dma_start3A_28 = tpu.memref_squeeze %dma_start3A_27 : memref<1x79x128xi32, #tpu.memory_space<hbm>> -> memref<79x128xi32, #tpu.memory_space<hbm>>
      %dma_start3A_29 = arith.constant 0 : i32
      %dma_start3A_30 = arith.constant 0 : i32
      %dma_start3A_31 = tpu.memref_slice %arg2[%add3A, %dma_start3A_29, %dma_start3A_30] : memref<32x79x128xi32, #tpu.memory_space<hbm>> -> memref<1x79x128xi32, #tpu.memory_space<hbm>>
      %dma_start3A_32 = tpu.memref_squeeze %dma_start3A_31 : memref<1x79x128xi32, #tpu.memory_space<hbm>> -> memref<79x128xi32, #tpu.memory_space<hbm>>
      tpu.enqueue_dma source(%dma_start3A_32 : memref<79x128xi32, #tpu.memory_space<hbm>>) target(%arg7 : memref<79x128xi32, #tpu.memory_space<vmem>>) target_semaphore(%run_scoped3A : memref<!tpu.dma_semaphore, #tpu.memory_space<semaphore_mem>>)
      %dma_wait3A = arith.constant 0 : i32
      %dma_wait3A_33 = arith.constant 0 : i32
      %dma_wait3A_34 = tpu.memref_slice %arg2[%add3A, %dma_wait3A, %dma_wait3A_33] : memref<32x79x128xi32, #tpu.memory_space<hbm>> -> memref<1x79x128xi32, #tpu.memory_space<hbm>>
      %dma_wait3A_35 = tpu.memref_squeeze %dma_wait3A_34 : memref<1x79x128xi32, #tpu.memory_space<hbm>> -> memref<79x128xi32, #tpu.memory_space<hbm>>
      %dma_wait3A_36 = arith.constant 0 : i32
      %dma_wait3A_37 = arith.constant 0 : i32
      %dma_wait3A_38 = tpu.memref_slice %arg2[%add3A, %dma_wait3A_36, %dma_wait3A_37] : memref<32x79x128xi32, #tpu.memory_space<hbm>> -> memref<1x79x128xi32, #tpu.memory_space<hbm>>
      %dma_wait3A_39 = tpu.memref_squeeze %dma_wait3A_38 : memref<1x79x128xi32, #tpu.memory_space<hbm>> -> memref<79x128xi32, #tpu.memory_space<hbm>>
      tpu.wait_dma2 semaphore(%run_scoped3A : memref<!tpu.dma_semaphore, #tpu.memory_space<semaphore_mem>>) src(%dma_wait3A_39 : memref<79x128xi32, #tpu.memory_space<hbm>>) dst(%arg7 : memref<79x128xi32, #tpu.memory_space<vmem>>)
      tpu.yield
    }) : () -> ()
    "tpu.region"() ({
      %run_scoped3A = tpu.sem_alloc : memref<!tpu.dma_semaphore, #tpu.memory_space<semaphore_mem>>
      %dma_start3A = arith.constant 0 : i32
      %dma_start3A_26 = arith.constant 0 : i32
      %dma_start3A_27 = tpu.memref_slice %arg3[%add3A, %dma_start3A, %dma_start3A_26] : memref<32x79x128xi32, #tpu.memory_space<hbm>> -> memref<1x79x128xi32, #tpu.memory_space<hbm>>
      %dma_start3A_28 = tpu.memref_squeeze %dma_start3A_27 : memref<1x79x128xi32, #tpu.memory_space<hbm>> -> memref<79x128xi32, #tpu.memory_space<hbm>>
      %dma_start3A_29 = arith.constant 0 : i32
      %dma_start3A_30 = arith.constant 0 : i32
      %dma_start3A_31 = tpu.memref_slice %arg3[%add3A, %dma_start3A_29, %dma_start3A_30] : memref<32x79x128xi32, #tpu.memory_space<hbm>> -> memref<1x79x128xi32, #tpu.memory_space<hbm>>
      %dma_start3A_32 = tpu.memref_squeeze %dma_start3A_31 : memref<1x79x128xi32, #tpu.memory_space<hbm>> -> memref<79x128xi32, #tpu.memory_space<hbm>>
      tpu.enqueue_dma source(%dma_start3A_32 : memref<79x128xi32, #tpu.memory_space<hbm>>) target(%arg8 : memref<79x128xi32, #tpu.memory_space<vmem>>) target_semaphore(%run_scoped3A : memref<!tpu.dma_semaphore, #tpu.memory_space<semaphore_mem>>)
      %dma_wait3A = arith.constant 0 : i32
      %dma_wait3A_33 = arith.constant 0 : i32
      %dma_wait3A_34 = tpu.memref_slice %arg3[%add3A, %dma_wait3A, %dma_wait3A_33] : memref<32x79x128xi32, #tpu.memory_space<hbm>> -> memref<1x79x128xi32, #tpu.memory_space<hbm>>
      %dma_wait3A_35 = tpu.memref_squeeze %dma_wait3A_34 : memref<1x79x128xi32, #tpu.memory_space<hbm>> -> memref<79x128xi32, #tpu.memory_space<hbm>>
      %dma_wait3A_36 = arith.constant 0 : i32
      %dma_wait3A_37 = arith.constant 0 : i32
      %dma_wait3A_38 = tpu.memref_slice %arg3[%add3A, %dma_wait3A_36, %dma_wait3A_37] : memref<32x79x128xi32, #tpu.memory_space<hbm>> -> memref<1x79x128xi32, #tpu.memory_space<hbm>>
      %dma_wait3A_39 = tpu.memref_squeeze %dma_wait3A_38 : memref<1x79x128xi32, #tpu.memory_space<hbm>> -> memref<79x128xi32, #tpu.memory_space<hbm>>
      tpu.wait_dma2 semaphore(%run_scoped3A : memref<!tpu.dma_semaphore, #tpu.memory_space<semaphore_mem>>) src(%dma_wait3A_39 : memref<79x128xi32, #tpu.memory_space<hbm>>) dst(%arg8 : memref<79x128xi32, #tpu.memory_space<vmem>>)
      tpu.yield
    }) : () -> ()
    "tpu.region"() ({
      %run_scoped3A = tpu.sem_alloc : memref<!tpu.dma_semaphore, #tpu.memory_space<semaphore_mem>>
      %dma_start3A = arith.constant 0 : i32
      %dma_start3A_26 = arith.constant 0 : i32
      %dma_start3A_27 = tpu.memref_slice %arg4[%add3A, %dma_start3A, %dma_start3A_26] : memref<32x79x128xf32, #tpu.memory_space<hbm>> -> memref<1x79x128xf32, #tpu.memory_space<hbm>>
      %dma_start3A_28 = tpu.memref_squeeze %dma_start3A_27 : memref<1x79x128xf32, #tpu.memory_space<hbm>> -> memref<79x128xf32, #tpu.memory_space<hbm>>
      %dma_start3A_29 = arith.constant 0 : i32
      %dma_start3A_30 = arith.constant 0 : i32
      %dma_start3A_31 = tpu.memref_slice %arg4[%add3A, %dma_start3A_29, %dma_start3A_30] : memref<32x79x128xf32, #tpu.memory_space<hbm>> -> memref<1x79x128xf32, #tpu.memory_space<hbm>>
      %dma_start3A_32 = tpu.memref_squeeze %dma_start3A_31 : memref<1x79x128xf32, #tpu.memory_space<hbm>> -> memref<79x128xf32, #tpu.memory_space<hbm>>
      tpu.enqueue_dma source(%dma_start3A_32 : memref<79x128xf32, #tpu.memory_space<hbm>>) target(%arg9 : memref<79x128xf32, #tpu.memory_space<vmem>>) target_semaphore(%run_scoped3A : memref<!tpu.dma_semaphore, #tpu.memory_space<semaphore_mem>>)
      %dma_wait3A = arith.constant 0 : i32
      %dma_wait3A_33 = arith.constant 0 : i32
      %dma_wait3A_34 = tpu.memref_slice %arg4[%add3A, %dma_wait3A, %dma_wait3A_33] : memref<32x79x128xf32, #tpu.memory_space<hbm>> -> memref<1x79x128xf32, #tpu.memory_space<hbm>>
      %dma_wait3A_35 = tpu.memref_squeeze %dma_wait3A_34 : memref<1x79x128xf32, #tpu.memory_space<hbm>> -> memref<79x128xf32, #tpu.memory_space<hbm>>
      %dma_wait3A_36 = arith.constant 0 : i32
      %dma_wait3A_37 = arith.constant 0 : i32
      %dma_wait3A_38 = tpu.memref_slice %arg4[%add3A, %dma_wait3A_36, %dma_wait3A_37] : memref<32x79x128xf32, #tpu.memory_space<hbm>> -> memref<1x79x128xf32, #tpu.memory_space<hbm>>
      %dma_wait3A_39 = tpu.memref_squeeze %dma_wait3A_38 : memref<1x79x128xf32, #tpu.memory_space<hbm>> -> memref<79x128xf32, #tpu.memory_space<hbm>>
      tpu.wait_dma2 semaphore(%run_scoped3A : memref<!tpu.dma_semaphore, #tpu.memory_space<semaphore_mem>>) src(%dma_wait3A_39 : memref<79x128xf32, #tpu.memory_space<hbm>>) dst(%arg9 : memref<79x128xf32, #tpu.memory_space<vmem>>)
      tpu.yield
    }) : () -> ()
    %broadcast_in_dim3A = arith.constant 0.000000e+00 : f32
    %broadcast_in_dim3A_1 = vector.broadcast %broadcast_in_dim3A : f32 to vector<16xf32>
    %scan3A = arith.constant 0 : i32
    %scan3A_2 = arith.constant 0 : i32
    %scan3A_3 = arith.constant 128 : i32
    %scan3A_4 = arith.addi %scan3A_2, %scan3A_3 : i32
    %scan3A_5 = arith.constant 1 : i32
    scf.for %scan3A_26 = %scan3A_2 to %scan3A_4 step %scan3A_5  : i32 {
      %swap3A = arith.index_cast %scan3A_26 : i32 to index
      %swap3A_27 = arith.constant 0 : index
      %swap3A_28 = tpu.vector_load %arg10[%swap3A, %swap3A_27] {strides = array<i32>} : memref<128x128xf32, #tpu.memory_space<vmem>>, vector<1x16xf32>,
      %swap3A_29 = vector.shape_cast %swap3A_28 : vector<1x16xf32> to vector<16xf32>
      %swap3A_30 = vector.shape_cast %broadcast_in_dim3A_1 : vector<16xf32> to vector<1x16xf32>
      tpu.vector_store %arg10[%swap3A, %swap3A_27], %swap3A_30 {strides = array<i32>} : memref<128x128xf32, #tpu.memory_space<vmem>>, vector<1x16xf32>,
      %swap3A_31 = arith.index_cast %scan3A_26 : i32 to index
      %swap3A_32 = arith.constant 16 : index
      %swap3A_33 = tpu.vector_load %arg10[%swap3A_31, %swap3A_32] {strides = array<i32>} : memref<128x128xf32, #tpu.memory_space<vmem>>, vector<1x16xf32>,
      %swap3A_34 = vector.shape_cast %swap3A_33 : vector<1x16xf32> to vector<16xf32>
      %swap3A_35 = vector.shape_cast %broadcast_in_dim3A_1 : vector<16xf32> to vector<1x16xf32>
      tpu.vector_store %arg10[%swap3A_31, %swap3A_32], %swap3A_35 {strides = array<i32>} : memref<128x128xf32, #tpu.memory_space<vmem>>, vector<1x16xf32>,
      %swap3A_36 = arith.index_cast %scan3A_26 : i32 to index
      %swap3A_37 = arith.constant 32 : index
      %swap3A_38 = tpu.vector_load %arg10[%swap3A_36, %swap3A_37] {strides = array<i32>} : memref<128x128xf32, #tpu.memory_space<vmem>>, vector<1x16xf32>,
      %swap3A_39 = vector.shape_cast %swap3A_38 : vector<1x16xf32> to vector<16xf32>
      %swap3A_40 = vector.shape_cast %broadcast_in_dim3A_1 : vector<16xf32> to vector<1x16xf32>
      tpu.vector_store %arg10[%swap3A_36, %swap3A_37], %swap3A_40 {strides = array<i32>} : memref<128x128xf32, #tpu.memory_space<vmem>>, vector<1x16xf32>,
      %swap3A_41 = arith.index_cast %scan3A_26 : i32 to index
      %swap3A_42 = arith.constant 48 : index
      %swap3A_43 = tpu.vector_load %arg10[%swap3A_41, %swap3A_42] {strides = array<i32>} : memref<128x128xf32, #tpu.memory_space<vmem>>, vector<1x16xf32>,
      %swap3A_44 = vector.shape_cast %swap3A_43 : vector<1x16xf32> to vector<16xf32>
      %swap3A_45 = vector.shape_cast %broadcast_in_dim3A_1 : vector<16xf32> to vector<1x16xf32>
      tpu.vector_store %arg10[%swap3A_41, %swap3A_42], %swap3A_45 {strides = array<i32>} : memref<128x128xf32, #tpu.memory_space<vmem>>, vector<1x16xf32>,
      %swap3A_46 = arith.index_cast %scan3A_26 : i32 to index
      %swap3A_47 = arith.constant 64 : index
      %swap3A_48 = tpu.vector_load %arg10[%swap3A_46, %swap3A_47] {strides = array<i32>} : memref<128x128xf32, #tpu.memory_space<vmem>>, vector<1x16xf32>,
      %swap3A_49 = vector.shape_cast %swap3A_48 : vector<1x16xf32> to vector<16xf32>
      %swap3A_50 = vector.shape_cast %broadcast_in_dim3A_1 : vector<16xf32> to vector<1x16xf32>
      tpu.vector_store %arg10[%swap3A_46, %swap3A_47], %swap3A_50 {strides = array<i32>} : memref<128x128xf32, #tpu.memory_space<vmem>>, vector<1x16xf32>,
      %swap3A_51 = arith.index_cast %scan3A_26 : i32 to index
      %swap3A_52 = arith.constant 80 : index
      %swap3A_53 = tpu.vector_load %arg10[%swap3A_51, %swap3A_52] {strides = array<i32>} : memref<128x128xf32, #tpu.memory_space<vmem>>, vector<1x16xf32>,
      %swap3A_54 = vector.shape_cast %swap3A_53 : vector<1x16xf32> to vector<16xf32>
      %swap3A_55 = vector.shape_cast %broadcast_in_dim3A_1 : vector<16xf32> to vector<1x16xf32>
      tpu.vector_store %arg10[%swap3A_51, %swap3A_52], %swap3A_55 {strides = array<i32>} : memref<128x128xf32, #tpu.memory_space<vmem>>, vector<1x16xf32>,
      %swap3A_56 = arith.index_cast %scan3A_26 : i32 to index
      %swap3A_57 = arith.constant 96 : index
      %swap3A_58 = tpu.vector_load %arg10[%swap3A_56, %swap3A_57] {strides = array<i32>} : memref<128x128xf32, #tpu.memory_space<vmem>>, vector<1x16xf32>,
      %swap3A_59 = vector.shape_cast %swap3A_58 : vector<1x16xf32> to vector<16xf32>
      %swap3A_60 = vector.shape_cast %broadcast_in_dim3A_1 : vector<16xf32> to vector<1x16xf32>
      tpu.vector_store %arg10[%swap3A_56, %swap3A_57], %swap3A_60 {strides = array<i32>} : memref<128x128xf32, #tpu.memory_space<vmem>>, vector<1x16xf32>,
      %swap3A_61 = arith.index_cast %scan3A_26 : i32 to index
      %swap3A_62 = arith.constant 112 : index
      %swap3A_63 = tpu.vector_load %arg10[%swap3A_61, %swap3A_62] {strides = array<i32>} : memref<128x128xf32, #tpu.memory_space<vmem>>, vector<1x16xf32>,
      %swap3A_64 = vector.shape_cast %swap3A_63 : vector<1x16xf32> to vector<16xf32>
      %swap3A_65 = vector.shape_cast %broadcast_in_dim3A_1 : vector<16xf32> to vector<1x16xf32>
      tpu.vector_store %arg10[%swap3A_61, %swap3A_62], %swap3A_65 {strides = array<i32>} : memref<128x128xf32, #tpu.memory_space<vmem>>, vector<1x16xf32>,
    }
    %scan3A_6 = arith.constant 128 : i32
    %mul3A_7 = arith.constant 632 : i32
    %mul3A_8 = arith.muli %arg1, %mul3A_7 : i32
    %add3A_9 = arith.constant 0 : i32
    %add3A_10 = arith.addi %mul3A_8, %add3A_9 : i32
    "tpu.region"() ({
      %run_scoped3A = tpu.sem_alloc : memref<!tpu.dma_semaphore, #tpu.memory_space<semaphore_mem>>
      %dma_start3A = arith.constant 0 : i32
      %dma_start3A_26 = arith.constant 0 : i32
      %dma_start3A_27 = tpu.memref_slice %arg10[%dma_start3A, %dma_start3A_26] : memref<128x128xf32, #tpu.memory_space<vmem>> -> memref<128x128xf32, #tpu.memory_space<vmem>>
      %dma_start3A_28 = arith.constant 0 : i32
      %dma_start3A_29 = tpu.memref_slice %arg11[%add3A_10, %dma_start3A_28] : memref<10112x128xf32, #tpu.memory_space<vmem_shared>> -> memref<128x128xf32, #tpu.memory_space<vmem_shared>>
      %dma_start3A_30 = arith.constant 0 : i32
      %dma_start3A_31 = tpu.memref_slice %arg11[%add3A_10, %dma_start3A_30] : memref<10112x128xf32, #tpu.memory_space<vmem_shared>> -> memref<128x128xf32, #tpu.memory_space<vmem_shared>>
      %dma_start3A_32 = arith.constant 0 : i32
      %dma_start3A_33 = arith.constant 0 : i32
      %dma_start3A_34 = tpu.memref_slice %arg10[%dma_start3A_32, %dma_start3A_33] : memref<128x128xf32, #tpu.memory_space<vmem>> -> memref<128x128xf32, #tpu.memory_space<vmem>>
      tpu.enqueue_dma source(%dma_start3A_34 : memref<128x128xf32, #tpu.memory_space<vmem>>) target(%dma_start3A_31 : memref<128x128xf32, #tpu.memory_space<vmem_shared>>) target_semaphore(%run_scoped3A : memref<!tpu.dma_semaphore, #tpu.memory_space<semaphore_mem>>)
      %dma_wait3A = arith.constant 0 : i32
      %dma_wait3A_35 = arith.constant 0 : i32
      %dma_wait3A_36 = tpu.memref_slice %arg10[%dma_wait3A, %dma_wait3A_35] : memref<128x128xf32, #tpu.memory_space<vmem>> -> memref<128x128xf32, #tpu.memory_space<vmem>>
      %dma_wait3A_37 = arith.constant 0 : i32
      %dma_wait3A_38 = tpu.memref_slice %arg11[%add3A_10, %dma_wait3A_37] : memref<10112x128xf32, #tpu.memory_space<vmem_shared>> -> memref<128x128xf32, #tpu.memory_space<vmem_shared>>
      %dma_wait3A_39 = arith.constant 0 : i32
      %dma_wait3A_40 = tpu.memref_slice %arg11[%add3A_10, %dma_wait3A_39] : memref<10112x128xf32, #tpu.memory_space<vmem_shared>> -> memref<128x128xf32, #tpu.memory_space<vmem_shared>>
      %dma_wait3A_41 = arith.constant 0 : i32
      %dma_wait3A_42 = arith.constant 0 : i32
      %dma_wait3A_43 = tpu.memref_slice %arg10[%dma_wait3A_41, %dma_wait3A_42] : memref<128x128xf32, #tpu.memory_space<vmem>> -> memref<128x128xf32, #tpu.memory_space<vmem>>
      tpu.wait_dma2 semaphore(%run_scoped3A : memref<!tpu.dma_semaphore, #tpu.memory_space<semaphore_mem>>) src(%dma_wait3A_43 : memref<128x128xf32, #tpu.memory_space<vmem>>) dst(%dma_wait3A_40 : memref<128x128xf32, #tpu.memory_space<vmem_shared>>)
      tpu.yield
    }) : () -> ()
    %add3A_11 = arith.constant 128 : i32
    %add3A_12 = arith.addi %mul3A_8, %add3A_11 : i32
    "tpu.region"() ({
      %run_scoped3A = tpu.sem_alloc : memref<!tpu.dma_semaphore, #tpu.memory_space<semaphore_mem>>
      %dma_start3A = arith.constant 0 : i32
      %dma_start3A_26 = arith.constant 0 : i32
      %dma_start3A_27 = tpu.memref_slice %arg10[%dma_start3A, %dma_start3A_26] : memref<128x128xf32, #tpu.memory_space<vmem>> -> memref<128x128xf32, #tpu.memory_space<vmem>>
      %dma_start3A_28 = arith.constant 0 : i32
      %dma_start3A_29 = tpu.memref_slice %arg11[%add3A_12, %dma_start3A_28] : memref<10112x128xf32, #tpu.memory_space<vmem_shared>> -> memref<128x128xf32, #tpu.memory_space<vmem_shared>>
      %dma_start3A_30 = arith.constant 0 : i32
      %dma_start3A_31 = tpu.memref_slice %arg11[%add3A_12, %dma_start3A_30] : memref<10112x128xf32, #tpu.memory_space<vmem_shared>> -> memref<128x128xf32, #tpu.memory_space<vmem_shared>>
      %dma_start3A_32 = arith.constant 0 : i32
      %dma_start3A_33 = arith.constant 0 : i32
      %dma_start3A_34 = tpu.memref_slice %arg10[%dma_start3A_32, %dma_start3A_33] : memref<128x128xf32, #tpu.memory_space<vmem>> -> memref<128x128xf32, #tpu.memory_space<vmem>>
      tpu.enqueue_dma source(%dma_start3A_34 : memref<128x128xf32, #tpu.memory_space<vmem>>) target(%dma_start3A_31 : memref<128x128xf32, #tpu.memory_space<vmem_shared>>) target_semaphore(%run_scoped3A : memref<!tpu.dma_semaphore, #tpu.memory_space<semaphore_mem>>)
      %dma_wait3A = arith.constant 0 : i32
      %dma_wait3A_35 = arith.constant 0 : i32
      %dma_wait3A_36 = tpu.memref_slice %arg10[%dma_wait3A, %dma_wait3A_35] : memref<128x128xf32, #tpu.memory_space<vmem>> -> memref<128x128xf32, #tpu.memory_space<vmem>>
      %dma_wait3A_37 = arith.constant 0 : i32
      %dma_wait3A_38 = tpu.memref_slice %arg11[%add3A_12, %dma_wait3A_37] : memref<10112x128xf32, #tpu.memory_space<vmem_shared>> -> memref<128x128xf32, #tpu.memory_space<vmem_shared>>
      %dma_wait3A_39 = arith.constant 0 : i32
      %dma_wait3A_40 = tpu.memref_slice %arg11[%add3A_12, %dma_wait3A_39] : memref<10112x128xf32, #tpu.memory_space<vmem_shared>> -> memref<128x128xf32, #tpu.memory_space<vmem_shared>>
      %dma_wait3A_41 = arith.constant 0 : i32
      %dma_wait3A_42 = arith.constant 0 : i32
      %dma_wait3A_43 = tpu.memref_slice %arg10[%dma_wait3A_41, %dma_wait3A_42] : memref<128x128xf32, #tpu.memory_space<vmem>> -> memref<128x128xf32, #tpu.memory_space<vmem>>
      tpu.wait_dma2 semaphore(%run_scoped3A : memref<!tpu.dma_semaphore, #tpu.memory_space<semaphore_mem>>) src(%dma_wait3A_43 : memref<128x128xf32, #tpu.memory_space<vmem>>) dst(%dma_wait3A_40 : memref<128x128xf32, #tpu.memory_space<vmem_shared>>)
      tpu.yield
    }) : () -> ()
    %add3A_13 = arith.constant 256 : i32
    %add3A_14 = arith.addi %mul3A_8, %add3A_13 : i32
    "tpu.region"() ({
      %run_scoped3A = tpu.sem_alloc : memref<!tpu.dma_semaphore, #tpu.memory_space<semaphore_mem>>
      %dma_start3A = arith.constant 0 : i32
      %dma_start3A_26 = arith.constant 0 : i32
      %dma_start3A_27 = tpu.memref_slice %arg10[%dma_start3A, %dma_start3A_26] : memref<128x128xf32, #tpu.memory_space<vmem>> -> memref<128x128xf32, #tpu.memory_space<vmem>>
      %dma_start3A_28 = arith.constant 0 : i32
      %dma_start3A_29 = tpu.memref_slice %arg11[%add3A_14, %dma_start3A_28] : memref<10112x128xf32, #tpu.memory_space<vmem_shared>> -> memref<128x128xf32, #tpu.memory_space<vmem_shared>>
      %dma_start3A_30 = arith.constant 0 : i32
      %dma_start3A_31 = tpu.memref_slice %arg11[%add3A_14, %dma_start3A_30] : memref<10112x128xf32, #tpu.memory_space<vmem_shared>> -> memref<128x128xf32, #tpu.memory_space<vmem_shared>>
      %dma_start3A_32 = arith.constant 0 : i32
      %dma_start3A_33 = arith.constant 0 : i32
      %dma_start3A_34 = tpu.memref_slice %arg10[%dma_start3A_32, %dma_start3A_33] : memref<128x128xf32, #tpu.memory_space<vmem>> -> memref<128x128xf32, #tpu.memory_space<vmem>>
      tpu.enqueue_dma source(%dma_start3A_34 : memref<128x128xf32, #tpu.memory_space<vmem>>) target(%dma_start3A_31 : memref<128x128xf32, #tpu.memory_space<vmem_shared>>) target_semaphore(%run_scoped3A : memref<!tpu.dma_semaphore, #tpu.memory_space<semaphore_mem>>)
      %dma_wait3A = arith.constant 0 : i32
      %dma_wait3A_35 = arith.constant 0 : i32
      %dma_wait3A_36 = tpu.memref_slice %arg10[%dma_wait3A, %dma_wait3A_35] : memref<128x128xf32, #tpu.memory_space<vmem>> -> memref<128x128xf32, #tpu.memory_space<vmem>>
      %dma_wait3A_37 = arith.constant 0 : i32
      %dma_wait3A_38 = tpu.memref_slice %arg11[%add3A_14, %dma_wait3A_37] : memref<10112x128xf32, #tpu.memory_space<vmem_shared>> -> memref<128x128xf32, #tpu.memory_space<vmem_shared>>
      %dma_wait3A_39 = arith.constant 0 : i32
      %dma_wait3A_40 = tpu.memref_slice %arg11[%add3A_14, %dma_wait3A_39] : memref<10112x128xf32, #tpu.memory_space<vmem_shared>> -> memref<128x128xf32, #tpu.memory_space<vmem_shared>>
      %dma_wait3A_41 = arith.constant 0 : i32
      %dma_wait3A_42 = arith.constant 0 : i32
      %dma_wait3A_43 = tpu.memref_slice %arg10[%dma_wait3A_41, %dma_wait3A_42] : memref<128x128xf32, #tpu.memory_space<vmem>> -> memref<128x128xf32, #tpu.memory_space<vmem>>
      tpu.wait_dma2 semaphore(%run_scoped3A : memref<!tpu.dma_semaphore, #tpu.memory_space<semaphore_mem>>) src(%dma_wait3A_43 : memref<128x128xf32, #tpu.memory_space<vmem>>) dst(%dma_wait3A_40 : memref<128x128xf32, #tpu.memory_space<vmem_shared>>)
      tpu.yield
    }) : () -> ()
    %add3A_15 = arith.constant 384 : i32
    %add3A_16 = arith.addi %mul3A_8, %add3A_15 : i32
    "tpu.region"() ({
      %run_scoped3A = tpu.sem_alloc : memref<!tpu.dma_semaphore, #tpu.memory_space<semaphore_mem>>
      %dma_start3A = arith.constant 0 : i32
      %dma_start3A_26 = arith.constant 0 : i32
      %dma_start3A_27 = tpu.memref_slice %arg10[%dma_start3A, %dma_start3A_26] : memref<128x128xf32, #tpu.memory_space<vmem>> -> memref<128x128xf32, #tpu.memory_space<vmem>>
      %dma_start3A_28 = arith.constant 0 : i32
      %dma_start3A_29 = tpu.memref_slice %arg11[%add3A_16, %dma_start3A_28] : memref<10112x128xf32, #tpu.memory_space<vmem_shared>> -> memref<128x128xf32, #tpu.memory_space<vmem_shared>>
      %dma_start3A_30 = arith.constant 0 : i32
      %dma_start3A_31 = tpu.memref_slice %arg11[%add3A_16, %dma_start3A_30] : memref<10112x128xf32, #tpu.memory_space<vmem_shared>> -> memref<128x128xf32, #tpu.memory_space<vmem_shared>>
      %dma_start3A_32 = arith.constant 0 : i32
      %dma_start3A_33 = arith.constant 0 : i32
      %dma_start3A_34 = tpu.memref_slice %arg10[%dma_start3A_32, %dma_start3A_33] : memref<128x128xf32, #tpu.memory_space<vmem>> -> memref<128x128xf32, #tpu.memory_space<vmem>>
      tpu.enqueue_dma source(%dma_start3A_34 : memref<128x128xf32, #tpu.memory_space<vmem>>) target(%dma_start3A_31 : memref<128x128xf32, #tpu.memory_space<vmem_shared>>) target_semaphore(%run_scoped3A : memref<!tpu.dma_semaphore, #tpu.memory_space<semaphore_mem>>)
      %dma_wait3A = arith.constant 0 : i32
      %dma_wait3A_35 = arith.constant 0 : i32
      %dma_wait3A_36 = tpu.memref_slice %arg10[%dma_wait3A, %dma_wait3A_35] : memref<128x128xf32, #tpu.memory_space<vmem>> -> memref<128x128xf32, #tpu.memory_space<vmem>>
      %dma_wait3A_37 = arith.constant 0 : i32
      %dma_wait3A_38 = tpu.memref_slice %arg11[%add3A_16, %dma_wait3A_37] : memref<10112x128xf32, #tpu.memory_space<vmem_shared>> -> memref<128x128xf32, #tpu.memory_space<vmem_shared>>
      %dma_wait3A_39 = arith.constant 0 : i32
      %dma_wait3A_40 = tpu.memref_slice %arg11[%add3A_16, %dma_wait3A_39] : memref<10112x128xf32, #tpu.memory_space<vmem_shared>> -> memref<128x128xf32, #tpu.memory_space<vmem_shared>>
      %dma_wait3A_41 = arith.constant 0 : i32
      %dma_wait3A_42 = arith.constant 0 : i32
      %dma_wait3A_43 = tpu.memref_slice %arg10[%dma_wait3A_41, %dma_wait3A_42] : memref<128x128xf32, #tpu.memory_space<vmem>> -> memref<128x128xf32, #tpu.memory_space<vmem>>
      tpu.wait_dma2 semaphore(%run_scoped3A : memref<!tpu.dma_semaphore, #tpu.memory_space<semaphore_mem>>) src(%dma_wait3A_43 : memref<128x128xf32, #tpu.memory_space<vmem>>) dst(%dma_wait3A_40 : memref<128x128xf32, #tpu.memory_space<vmem_shared>>)
      tpu.yield
    }) : () -> ()
    %add3A_17 = arith.constant 512 : i32
    %add3A_18 = arith.addi %mul3A_8, %add3A_17 : i32
    "tpu.region"() ({
      %run_scoped3A = tpu.sem_alloc : memref<!tpu.dma_semaphore, #tpu.memory_space<semaphore_mem>>
      %dma_start3A = arith.constant 0 : i32
      %dma_start3A_26 = arith.constant 0 : i32
      %dma_start3A_27 = tpu.memref_slice %arg10[%dma_start3A, %dma_start3A_26] : memref<128x128xf32, #tpu.memory_space<vmem>> -> memref<120x128xf32, #tpu.memory_space<vmem>>
      %dma_start3A_28 = arith.constant 0 : i32
      %dma_start3A_29 = tpu.memref_slice %arg11[%add3A_18, %dma_start3A_28] : memref<10112x128xf32, #tpu.memory_space<vmem_shared>> -> memref<120x128xf32, #tpu.memory_space<vmem_shared>>
      %dma_start3A_30 = arith.constant 0 : i32
      %dma_start3A_31 = tpu.memref_slice %arg11[%add3A_18, %dma_start3A_30] : memref<10112x128xf32, #tpu.memory_space<vmem_shared>> -> memref<120x128xf32, #tpu.memory_space<vmem_shared>>
      %dma_start3A_32 = arith.constant 0 : i32
      %dma_start3A_33 = arith.constant 0 : i32
      %dma_start3A_34 = tpu.memref_slice %arg10[%dma_start3A_32, %dma_start3A_33] : memref<128x128xf32, #tpu.memory_space<vmem>> -> memref<120x128xf32, #tpu.memory_space<vmem>>
      tpu.enqueue_dma source(%dma_start3A_34 : memref<120x128xf32, #tpu.memory_space<vmem>>) target(%dma_start3A_31 : memref<120x128xf32, #tpu.memory_space<vmem_shared>>) target_semaphore(%run_scoped3A : memref<!tpu.dma_semaphore, #tpu.memory_space<semaphore_mem>>)
      %dma_wait3A = arith.constant 0 : i32
      %dma_wait3A_35 = arith.constant 0 : i32
      %dma_wait3A_36 = tpu.memref_slice %arg10[%dma_wait3A, %dma_wait3A_35] : memref<128x128xf32, #tpu.memory_space<vmem>> -> memref<120x128xf32, #tpu.memory_space<vmem>>
      %dma_wait3A_37 = arith.constant 0 : i32
      %dma_wait3A_38 = tpu.memref_slice %arg11[%add3A_18, %dma_wait3A_37] : memref<10112x128xf32, #tpu.memory_space<vmem_shared>> -> memref<120x128xf32, #tpu.memory_space<vmem_shared>>
      %dma_wait3A_39 = arith.constant 0 : i32
      %dma_wait3A_40 = tpu.memref_slice %arg11[%add3A_18, %dma_wait3A_39] : memref<10112x128xf32, #tpu.memory_space<vmem_shared>> -> memref<120x128xf32, #tpu.memory_space<vmem_shared>>
      %dma_wait3A_41 = arith.constant 0 : i32
      %dma_wait3A_42 = arith.constant 0 : i32
      %dma_wait3A_43 = tpu.memref_slice %arg10[%dma_wait3A_41, %dma_wait3A_42] : memref<128x128xf32, #tpu.memory_space<vmem>> -> memref<120x128xf32, #tpu.memory_space<vmem>>
      tpu.wait_dma2 semaphore(%run_scoped3A : memref<!tpu.dma_semaphore, #tpu.memory_space<semaphore_mem>>) src(%dma_wait3A_43 : memref<120x128xf32, #tpu.memory_space<vmem>>) dst(%dma_wait3A_40 : memref<120x128xf32, #tpu.memory_space<vmem_shared>>)
      tpu.yield
    }) : () -> ()
    %barrier3A = arith.constant 0 : index
    tpu.barrier barrier_id(%barrier3A)
    %scan3A_19 = arith.constant 0 : i32
    %scan3A_20 = arith.constant 0 : i32
    %scan3A_21 = arith.constant 79 : i32
    %scan3A_22 = arith.addi %scan3A_20, %scan3A_21 : i32
    %scan3A_23 = arith.constant 1 : i32
    scf.for %scan3A_26 = %scan3A_20 to %scan3A_22 step %scan3A_23  : i32 {
      %dma_start3A = arith.constant 0 : i32
      %dma_start3A_27 = tpu.memref_slice %arg8[%scan3A_26, %dma_start3A] : memref<79x128xi32, #tpu.memory_space<vmem>> -> memref<1x128xi32, #tpu.memory_space<vmem>>
      %dma_start3A_28 = tpu.memref_squeeze %dma_start3A_27 : memref<1x128xi32, #tpu.memory_space<vmem>> -> memref<128xi32, #tpu.memory_space<vmem>>
      %dma_start3A_29 = arith.constant 0 : i32
      %dma_start3A_30 = arith.constant 0 : i32
      %dma_start3A_31 = tpu.memref_slice %arg5[%dma_start3A_29, %dma_start3A_30] : memref<10000x128xf32, #tpu.memory_space<hbm>> -> memref<10000x128xf32, #tpu.memory_space<hbm>>
      tpu.enqueue_indirect_dma source(%dma_start3A_31 : memref<10000x128xf32, #tpu.memory_space<hbm>>) target(%arg10 : memref<128x128xf32, #tpu.memory_space<vmem>>) offsets(%dma_start3A_28 : memref<128xi32, #tpu.memory_space<vmem>>) semaphore(%arg12 : memref<!tpu.dma_semaphore, #tpu.memory_space<semaphore_mem>>)
      %dma_wait3A = arith.constant 0 : i32
      %dma_wait3A_32 = tpu.memref_slice %arg8[%scan3A_26, %dma_wait3A] : memref<79x128xi32, #tpu.memory_space<vmem>> -> memref<1x128xi32, #tpu.memory_space<vmem>>
      %dma_wait3A_33 = tpu.memref_squeeze %dma_wait3A_32 : memref<1x128xi32, #tpu.memory_space<vmem>> -> memref<128xi32, #tpu.memory_space<vmem>>
      %dma_wait3A_34 = arith.constant 0 : i32
      %dma_wait3A_35 = arith.constant 0 : i32
      %dma_wait3A_36 = tpu.memref_slice %arg5[%dma_wait3A_34, %dma_wait3A_35] : memref<10000x128xf32, #tpu.memory_space<hbm>> -> memref<10000x128xf32, #tpu.memory_space<hbm>>
      tpu.wait_indirect_dma semaphore(%arg12 : memref<!tpu.dma_semaphore, #tpu.memory_space<semaphore_mem>>) src(%dma_wait3A_36 : memref<10000x128xf32, #tpu.memory_space<hbm>>) dst(%arg10 : memref<128x128xf32, #tpu.memory_space<vmem>>)
      %scan3A_37 = arith.constant 0 : i32
      %scan3A_38 = arith.constant 0 : i32
      %scan3A_39 = arith.constant 8 : i32
      %scan3A_40 = arith.addi %scan3A_38, %scan3A_39 : i32
      %scan3A_41 = arith.constant 1 : i32
      scf.for %scan3A_43 = %scan3A_38 to %scan3A_40 step %scan3A_41  : i32 {
        %mul3A_44 = arith.constant 16 : i32
        %mul3A_45 = arith.muli %scan3A_43, %mul3A_44 : i32
        %get3A = arith.index_cast %scan3A_26 : i32 to index
        %get3A_46 = arith.index_cast %mul3A_45 : i32 to index
        %get3A_47 = tpu.vector_load %arg9[%get3A, %get3A_46] {strides = array<i32>} : memref<79x128xf32, #tpu.memory_space<vmem>>, vector<1x16xf32>,
        %get3A_48 = vector.shape_cast %get3A_47 : vector<1x16xf32> to vector<16xf32>
        %slice3A = vector.extract_strided_slice %get3A_48 {offsets = [0], sizes = [1], strides = [1]} : vector<16xf32> to vector<1xf32>
        %squeeze3A = vector.extract %slice3A[0] : f32 from vector<1xf32>
        %broadcast_in_dim3A_49 = vector.broadcast %squeeze3A : f32 to vector<16xf32>
        %mul3A_50 = arith.constant 16 : i32
        %mul3A_51 = arith.muli %scan3A_43, %mul3A_50 : i32
        %add3A_52 = arith.constant 0 : i32
        %add3A_53 = arith.addi %mul3A_51, %add3A_52 : i32
        %get3A_54 = arith.index_cast %add3A_53 : i32 to index
        %get3A_55 = arith.constant 0 : index
        %get3A_56 = tpu.vector_load %arg10[%get3A_54, %get3A_55] {strides = array<i32>} : memref<128x128xf32, #tpu.memory_space<vmem>>, vector<1x16xf32>,
        %get3A_57 = vector.shape_cast %get3A_56 : vector<1x16xf32> to vector<16xf32>
        %mul3A_58 = arith.mulf %get3A_57, %broadcast_in_dim3A_49 : vector<16xf32>
        %swap3A = arith.index_cast %add3A_53 : i32 to index
        %swap3A_59 = arith.constant 0 : index
        %swap3A_60 = tpu.vector_load %arg10[%swap3A, %swap3A_59] {strides = array<i32>} : memref<128x128xf32, #tpu.memory_space<vmem>>, vector<1x16xf32>,
        %swap3A_61 = vector.shape_cast %swap3A_60 : vector<1x16xf32> to vector<16xf32>
        %swap3A_62 = vector.shape_cast %mul3A_58 : vector<16xf32> to vector<1x16xf32>
        tpu.vector_store %arg10[%swap3A, %swap3A_59], %swap3A_62 {strides = array<i32>} : memref<128x128xf32, #tpu.memory_space<vmem>>, vector<1x16xf32>,
        %get3A_63 = arith.index_cast %add3A_53 : i32 to index
        %get3A_64 = arith.constant 16 : index
        %get3A_65 = tpu.vector_load %arg10[%get3A_63, %get3A_64] {strides = array<i32>} : memref<128x128xf32, #tpu.memory_space<vmem>>, vector<1x16xf32>,
        %get3A_66 = vector.shape_cast %get3A_65 : vector<1x16xf32> to vector<16xf32>
        %mul3A_67 = arith.mulf %get3A_66, %broadcast_in_dim3A_49 : vector<16xf32>
        %swap3A_68 = arith.index_cast %add3A_53 : i32 to index
        %swap3A_69 = arith.constant 16 : index
        %swap3A_70 = tpu.vector_load %arg10[%swap3A_68, %swap3A_69] {strides = array<i32>} : memref<128x128xf32, #tpu.memory_space<vmem>>, vector<1x16xf32>,
        %swap3A_71 = vector.shape_cast %swap3A_70 : vector<1x16xf32> to vector<16xf32>
        %swap3A_72 = vector.shape_cast %mul3A_67 : vector<16xf32> to vector<1x16xf32>
        tpu.vector_store %arg10[%swap3A_68, %swap3A_69], %swap3A_72 {strides = array<i32>} : memref<128x128xf32, #tpu.memory_space<vmem>>, vector<1x16xf32>,
        %get3A_73 = arith.index_cast %add3A_53 : i32 to index
        %get3A_74 = arith.constant 32 : index
        %get3A_75 = tpu.vector_load %arg10[%get3A_73, %get3A_74] {strides = array<i32>} : memref<128x128xf32, #tpu.memory_space<vmem>>, vector<1x16xf32>,
        %get3A_76 = vector.shape_cast %get3A_75 : vector<1x16xf32> to vector<16xf32>
        %mul3A_77 = arith.mulf %get3A_76, %broadcast_in_dim3A_49 : vector<16xf32>
        %swap3A_78 = arith.index_cast %add3A_53 : i32 to index
        %swap3A_79 = arith.constant 32 : index
        %swap3A_80 = tpu.vector_load %arg10[%swap3A_78, %swap3A_79] {strides = array<i32>} : memref<128x128xf32, #tpu.memory_space<vmem>>, vector<1x16xf32>,
        %swap3A_81 = vector.shape_cast %swap3A_80 : vector<1x16xf32> to vector<16xf32>
        %swap3A_82 = vector.shape_cast %mul3A_77 : vector<16xf32> to vector<1x16xf32>
        tpu.vector_store %arg10[%swap3A_78, %swap3A_79], %swap3A_82 {strides = array<i32>} : memref<128x128xf32, #tpu.memory_space<vmem>>, vector<1x16xf32>,
        %get3A_83 = arith.index_cast %add3A_53 : i32 to index
        %get3A_84 = arith.constant 48 : index
        %get3A_85 = tpu.vector_load %arg10[%get3A_83, %get3A_84] {strides = array<i32>} : memref<128x128xf32, #tpu.memory_space<vmem>>, vector<1x16xf32>,
        %get3A_86 = vector.shape_cast %get3A_85 : vector<1x16xf32> to vector<16xf32>
        %mul3A_87 = arith.mulf %get3A_86, %broadcast_in_dim3A_49 : vector<16xf32>
        %swap3A_88 = arith.index_cast %add3A_53 : i32 to index
        %swap3A_89 = arith.constant 48 : index
        %swap3A_90 = tpu.vector_load %arg10[%swap3A_88, %swap3A_89] {strides = array<i32>} : memref<128x128xf32, #tpu.memory_space<vmem>>, vector<1x16xf32>,
        %swap3A_91 = vector.shape_cast %swap3A_90 : vector<1x16xf32> to vector<16xf32>
        %swap3A_92 = vector.shape_cast %mul3A_87 : vector<16xf32> to vector<1x16xf32>
        tpu.vector_store %arg10[%swap3A_88, %swap3A_89], %swap3A_92 {strides = array<i32>} : memref<128x128xf32, #tpu.memory_space<vmem>>, vector<1x16xf32>,
        %get3A_93 = arith.index_cast %add3A_53 : i32 to index
        %get3A_94 = arith.constant 64 : index
        %get3A_95 = tpu.vector_load %arg10[%get3A_93, %get3A_94] {strides = array<i32>} : memref<128x128xf32, #tpu.memory_space<vmem>>, vector<1x16xf32>,
        %get3A_96 = vector.shape_cast %get3A_95 : vector<1x16xf32> to vector<16xf32>
        %mul3A_97 = arith.mulf %get3A_96, %broadcast_in_dim3A_49 : vector<16xf32>
        %swap3A_98 = arith.index_cast %add3A_53 : i32 to index
        %swap3A_99 = arith.constant 64 : index
        %swap3A_100 = tpu.vector_load %arg10[%swap3A_98, %swap3A_99] {strides = array<i32>} : memref<128x128xf32, #tpu.memory_space<vmem>>, vector<1x16xf32>,
        %swap3A_101 = vector.shape_cast %swap3A_100 : vector<1x16xf32> to vector<16xf32>
        %swap3A_102 = vector.shape_cast %mul3A_97 : vector<16xf32> to vector<1x16xf32>
        tpu.vector_store %arg10[%swap3A_98, %swap3A_99], %swap3A_102 {strides = array<i32>} : memref<128x128xf32, #tpu.memory_space<vmem>>, vector<1x16xf32>,
        %get3A_103 = arith.index_cast %add3A_53 : i32 to index
        %get3A_104 = arith.constant 80 : index
        %get3A_105 = tpu.vector_load %arg10[%get3A_103, %get3A_104] {strides = array<i32>} : memref<128x128xf32, #tpu.memory_space<vmem>>, vector<1x16xf32>,
        %get3A_106 = vector.shape_cast %get3A_105 : vector<1x16xf32> to vector<16xf32>
        %mul3A_107 = arith.mulf %get3A_106, %broadcast_in_dim3A_49 : vector<16xf32>
        %swap3A_108 = arith.index_cast %add3A_53 : i32 to index
        %swap3A_109 = arith.constant 80 : index
        %swap3A_110 = tpu.vector_load %arg10[%swap3A_108, %swap3A_109] {strides = array<i32>} : memref<128x128xf32, #tpu.memory_space<vmem>>, vector<1x16xf32>,
        %swap3A_111 = vector.shape_cast %swap3A_110 : vector<1x16xf32> to vector<16xf32>
        %swap3A_112 = vector.shape_cast %mul3A_107 : vector<16xf32> to vector<1x16xf32>
        tpu.vector_store %arg10[%swap3A_108, %swap3A_109], %swap3A_112 {strides = array<i32>} : memref<128x128xf32, #tpu.memory_space<vmem>>, vector<1x16xf32>,
        %get3A_113 = arith.index_cast %add3A_53 : i32 to index
        %get3A_114 = arith.constant 96 : index
        %get3A_115 = tpu.vector_load %arg10[%get3A_113, %get3A_114] {strides = array<i32>} : memref<128x128xf32, #tpu.memory_space<vmem>>, vector<1x16xf32>,
        %get3A_116 = vector.shape_cast %get3A_115 : vector<1x16xf32> to vector<16xf32>
        %mul3A_117 = arith.mulf %get3A_116, %broadcast_in_dim3A_49 : vector<16xf32>
        %swap3A_118 = arith.index_cast %add3A_53 : i32 to index
        %swap3A_119 = arith.constant 96 : index
        %swap3A_120 = tpu.vector_load %arg10[%swap3A_118, %swap3A_119] {strides = array<i32>} : memref<128x128xf32, #tpu.memory_space<vmem>>, vector<1x16xf32>,
        %swap3A_121 = vector.shape_cast %swap3A_120 : vector<1x16xf32> to vector<16xf32>
        %swap3A_122 = vector.shape_cast %mul3A_117 : vector<16xf32> to vector<1x16xf32>
        tpu.vector_store %arg10[%swap3A_118, %swap3A_119], %swap3A_122 {strides = array<i32>} : memref<128x128xf32, #tpu.memory_space<vmem>>, vector<1x16xf32>,
        %get3A_123 = arith.index_cast %add3A_53 : i32 to index
        %get3A_124 = arith.constant 112 : index
        %get3A_125 = tpu.vector_load %arg10[%get3A_123, %get3A_124] {strides = array<i32>} : memref<128x128xf32, #tpu.memory_space<vmem>>, vector<1x16xf32>,
        %get3A_126 = vector.shape_cast %get3A_125 : vector<1x16xf32> to vector<16xf32>
        %mul3A_127 = arith.mulf %get3A_126, %broadcast_in_dim3A_49 : vector<16xf32>
        %swap3A_128 = arith.index_cast %add3A_53 : i32 to index
        %swap3A_129 = arith.constant 112 : index
        %swap3A_130 = tpu.vector_load %arg10[%swap3A_128, %swap3A_129] {strides = array<i32>} : memref<128x128xf32, #tpu.memory_space<vmem>>, vector<1x16xf32>,
        %swap3A_131 = vector.shape_cast %swap3A_130 : vector<1x16xf32> to vector<16xf32>
        %swap3A_132 = vector.shape_cast %mul3A_127 : vector<16xf32> to vector<1x16xf32>
        tpu.vector_store %arg10[%swap3A_128, %swap3A_129], %swap3A_132 {strides = array<i32>} : memref<128x128xf32, #tpu.memory_space<vmem>>, vector<1x16xf32>,
        %slice3A_133 = vector.extract_strided_slice %get3A_48 {offsets = [1], sizes = [1], strides = [1]} : vector<16xf32> to vector<1xf32>
        %squeeze3A_134 = vector.extract %slice3A_133[0] : f32 from vector<1xf32>
        %broadcast_in_dim3A_135 = vector.broadcast %squeeze3A_134 : f32 to vector<16xf32>
        %mul3A_136 = arith.constant 16 : i32
        %mul3A_137 = arith.muli %scan3A_43, %mul3A_136 : i32
        %add3A_138 = arith.constant 1 : i32
        %add3A_139 = arith.addi %mul3A_137, %add3A_138 : i32
        %get3A_140 = arith.index_cast %add3A_139 : i32 to index
        %get3A_141 = arith.constant 0 : index
        %get3A_142 = tpu.vector_load %arg10[%get3A_140, %get3A_141] {strides = array<i32>} : memref<128x128xf32, #tpu.memory_space<vmem>>, vector<1x16xf32>,
        %get3A_143 = vector.shape_cast %get3A_142 : vector<1x16xf32> to vector<16xf32>
        %mul3A_144 = arith.mulf %get3A_143, %broadcast_in_dim3A_135 : vector<16xf32>
        %swap3A_145 = arith.index_cast %add3A_139 : i32 to index
        %swap3A_146 = arith.constant 0 : index
        %swap3A_147 = tpu.vector_load %arg10[%swap3A_145, %swap3A_146] {strides = array<i32>} : memref<128x128xf32, #tpu.memory_space<vmem>>, vector<1x16xf32>,
        %swap3A_148 = vector.shape_cast %swap3A_147 : vector<1x16xf32> to vector<16xf32>
        %swap3A_149 = vector.shape_cast %mul3A_144 : vector<16xf32> to vector<1x16xf32>
        tpu.vector_store %arg10[%swap3A_145, %swap3A_146], %swap3A_149 {strides = array<i32>} : memref<128x128xf32, #tpu.memory_space<vmem>>, vector<1x16xf32>,
        %get3A_150 = arith.index_cast %add3A_139 : i32 to index
        %get3A_151 = arith.constant 16 : index
        %get3A_152 = tpu.vector_load %arg10[%get3A_150, %get3A_151] {strides = array<i32>} : memref<128x128xf32, #tpu.memory_space<vmem>>, vector<1x16xf32>,
        %get3A_153 = vector.shape_cast %get3A_152 : vector<1x16xf32> to vector<16xf32>
        %mul3A_154 = arith.mulf %get3A_153, %broadcast_in_dim3A_135 : vector<16xf32>
        %swap3A_155 = arith.index_cast %add3A_139 : i32 to index
        %swap3A_156 = arith.constant 16 : index
        %swap3A_157 = tpu.vector_load %arg10[%swap3A_155, %swap3A_156] {strides = array<i32>} : memref<128x128xf32, #tpu.memory_space<vmem>>, vector<1x16xf32>,
        %swap3A_158 = vector.shape_cast %swap3A_157 : vector<1x16xf32> to vector<16xf32>
        %swap3A_159 = vector.shape_cast %mul3A_154 : vector<16xf32> to vector<1x16xf32>
        tpu.vector_store %arg10[%swap3A_155, %swap3A_156], %swap3A_159 {strides = array<i32>} : memref<128x128xf32, #tpu.memory_space<vmem>>, vector<1x16xf32>,
        %get3A_160 = arith.index_cast %add3A_139 : i32 to index
        %get3A_161 = arith.constant 32 : index
        %get3A_162 = tpu.vector_load %arg10[%get3A_160, %get3A_161] {strides = array<i32>} : memref<128x128xf32, #tpu.memory_space<vmem>>, vector<1x16xf32>,
        %get3A_163 = vector.shape_cast %get3A_162 : vector<1x16xf32> to vector<16xf32>
        %mul3A_164 = arith.mulf %get3A_163, %broadcast_in_dim3A_135 : vector<16xf32>
        %swap3A_165 = arith.index_cast %add3A_139 : i32 to index
        %swap3A_166 = arith.constant 32 : index
        %swap3A_167 = tpu.vector_load %arg10[%swap3A_165, %swap3A_166] {strides = array<i32>} : memref<128x128xf32, #tpu.memory_space<vmem>>, vector<1x16xf32>,
        %swap3A_168 = vector.shape_cast %swap3A_167 : vector<1x16xf32> to vector<16xf32>
        %swap3A_169 = vector.shape_cast %mul3A_164 : vector<16xf32> to vector<1x16xf32>
        tpu.vector_store %arg10[%swap3A_165, %swap3A_166], %swap3A_169 {strides = array<i32>} : memref<128x128xf32, #tpu.memory_space<vmem>>, vector<1x16xf32>,
        %get3A_170 = arith.index_cast %add3A_139 : i32 to index
        %get3A_171 = arith.constant 48 : index
        %get3A_172 = tpu.vector_load %arg10[%get3A_170, %get3A_171] {strides = array<i32>} : memref<128x128xf32, #tpu.memory_space<vmem>>, vector<1x16xf32>,
        %get3A_173 = vector.shape_cast %get3A_172 : vector<1x16xf32> to vector<16xf32>
        %mul3A_174 = arith.mulf %get3A_173, %broadcast_in_dim3A_135 : vector<16xf32>
        %swap3A_175 = arith.index_cast %add3A_139 : i32 to index
        %swap3A_176 = arith.constant 48 : index
        %swap3A_177 = tpu.vector_load %arg10[%swap3A_175, %swap3A_176] {strides = array<i32>} : memref<128x128xf32, #tpu.memory_space<vmem>>, vector<1x16xf32>,
        %swap3A_178 = vector.shape_cast %swap3A_177 : vector<1x16xf32> to vector<16xf32>
        %swap3A_179 = vector.shape_cast %mul3A_174 : vector<16xf32> to vector<1x16xf32>
        tpu.vector_store %arg10[%swap3A_175, %swap3A_176], %swap3A_179 {strides = array<i32>} : memref<128x128xf32, #tpu.memory_space<vmem>>, vector<1x16xf32>,
        %get3A_180 = arith.index_cast %add3A_139 : i32 to index
        %get3A_181 = arith.constant 64 : index
        %get3A_182 = tpu.vector_load %arg10[%get3A_180, %get3A_181] {strides = array<i32>} : memref<128x128xf32, #tpu.memory_space<vmem>>, vector<1x16xf32>,
        %get3A_183 = vector.shape_cast %get3A_182 : vector<1x16xf32> to vector<16xf32>
        %mul3A_184 = arith.mulf %get3A_183, %broadcast_in_dim3A_135 : vector<16xf32>
        %swap3A_185 = arith.index_cast %add3A_139 : i32 to index
        %swap3A_186 = arith.constant 64 : index
        %swap3A_187 = tpu.vector_load %arg10[%swap3A_185, %swap3A_186] {strides = array<i32>} : memref<128x128xf32, #tpu.memory_space<vmem>>, vector<1x16xf32>,
        %swap3A_188 = vector.shape_cast %swap3A_187 : vector<1x16xf32> to vector<16xf32>
        %swap3A_189 = vector.shape_cast %mul3A_184 : vector<16xf32> to vector<1x16xf32>
        tpu.vector_store %arg10[%swap3A_185, %swap3A_186], %swap3A_189 {strides = array<i32>} : memref<128x128xf32, #tpu.memory_space<vmem>>, vector<1x16xf32>,
        %get3A_190 = arith.index_cast %add3A_139 : i32 to index
        %get3A_191 = arith.constant 80 : index
        %get3A_192 = tpu.vector_load %arg10[%get3A_190, %get3A_191] {strides = array<i32>} : memref<128x128xf32, #tpu.memory_space<vmem>>, vector<1x16xf32>,
        %get3A_193 = vector.shape_cast %get3A_192 : vector<1x16xf32> to vector<16xf32>
        %mul3A_194 = arith.mulf %get3A_193, %broadcast_in_dim3A_135 : vector<16xf32>
        %swap3A_195 = arith.index_cast %add3A_139 : i32 to index
        %swap3A_196 = arith.constant 80 : index
        %swap3A_197 = tpu.vector_load %arg10[%swap3A_195, %swap3A_196] {strides = array<i32>} : memref<128x128xf32, #tpu.memory_space<vmem>>, vector<1x16xf32>,
        %swap3A_198 = vector.shape_cast %swap3A_197 : vector<1x16xf32> to vector<16xf32>
        %swap3A_199 = vector.shape_cast %mul3A_194 : vector<16xf32> to vector<1x16xf32>
        tpu.vector_store %arg10[%swap3A_195, %swap3A_196], %swap3A_199 {strides = array<i32>} : memref<128x128xf32, #tpu.memory_space<vmem>>, vector<1x16xf32>,
        %get3A_200 = arith.index_cast %add3A_139 : i32 to index
        %get3A_201 = arith.constant 96 : index
        %get3A_202 = tpu.vector_load %arg10[%get3A_200, %get3A_201] {strides = array<i32>} : memref<128x128xf32, #tpu.memory_space<vmem>>, vector<1x16xf32>,
        %get3A_203 = vector.shape_cast %get3A_202 : vector<1x16xf32> to vector<16xf32>
        %mul3A_204 = arith.mulf %get3A_203, %broadcast_in_dim3A_135 : vector<16xf32>
        %swap3A_205 = arith.index_cast %add3A_139 : i32 to index
        %swap3A_206 = arith.constant 96 : index
        %swap3A_207 = tpu.vector_load %arg10[%swap3A_205, %swap3A_206] {strides = array<i32>} : memref<128x128xf32, #tpu.memory_space<vmem>>, vector<1x16xf32>,
        %swap3A_208 = vector.shape_cast %swap3A_207 : vector<1x16xf32> to vector<16xf32>
        %swap3A_209 = vector.shape_cast %mul3A_204 : vector<16xf32> to vector<1x16xf32>
        tpu.vector_store %arg10[%swap3A_205, %swap3A_206], %swap3A_209 {strides = array<i32>} : memref<128x128xf32, #tpu.memory_space<vmem>>, vector<1x16xf32>,
        %get3A_210 = arith.index_cast %add3A_139 : i32 to index
        %get3A_211 = arith.constant 112 : index
        %get3A_212 = tpu.vector_load %arg10[%get3A_210, %get3A_211] {strides = array<i32>} : memref<128x128xf32, #tpu.memory_space<vmem>>, vector<1x16xf32>,
        %get3A_213 = vector.shape_cast %get3A_212 : vector<1x16xf32> to vector<16xf32>
        %mul3A_214 = arith.mulf %get3A_213, %broadcast_in_dim3A_135 : vector<16xf32>
        %swap3A_215 = arith.index_cast %add3A_139 : i32 to index
        %swap3A_216 = arith.constant 112 : index
        %swap3A_217 = tpu.vector_load %arg10[%swap3A_215, %swap3A_216] {strides = array<i32>} : memref<128x128xf32, #tpu.memory_space<vmem>>, vector<1x16xf32>,
        %swap3A_218 = vector.shape_cast %swap3A_217 : vector<1x16xf32> to vector<16xf32>
        %swap3A_219 = vector.shape_cast %mul3A_214 : vector<16xf32> to vector<1x16xf32>
        tpu.vector_store %arg10[%swap3A_215, %swap3A_216], %swap3A_219 {strides = array<i32>} : memref<128x128xf32, #tpu.memory_space<vmem>>, vector<1x16xf32>,
        %slice3A_220 = vector.extract_strided_slice %get3A_48 {offsets = [2], sizes = [1], strides = [1]} : vector<16xf32> to vector<1xf32>
        %squeeze3A_221 = vector.extract %slice3A_220[0] : f32 from vector<1xf32>
        %broadcast_in_dim3A_222 = vector.broadcast %squeeze3A_221 : f32 to vector<16xf32>
        %mul3A_223 = arith.constant 16 : i32
        %mul3A_224 = arith.muli %scan3A_43, %mul3A_223 : i32
        %add3A_225 = arith.constant 2 : i32
        %add3A_226 = arith.addi %mul3A_224, %add3A_225 : i32
        %get3A_227 = arith.index_cast %add3A_226 : i32 to index
        %get3A_228 = arith.constant 0 : index
        %get3A_229 = tpu.vector_load %arg10[%get3A_227, %get3A_228] {strides = array<i32>} : memref<128x128xf32, #tpu.memory_space<vmem>>, vector<1x16xf32>,
        %get3A_230 = vector.shape_cast %get3A_229 : vector<1x16xf32> to vector<16xf32>
        %mul3A_231 = arith.mulf %get3A_230, %broadcast_in_dim3A_222 : vector<16xf32>
        %swap3A_232 = arith.index_cast %add3A_226 : i32 to index
        %swap3A_233 = arith.constant 0 : index
        %swap3A_234 = tpu.vector_load %arg10[%swap3A_232, %swap3A_233] {strides = array<i32>} : memref<128x128xf32, #tpu.memory_space<vmem>>, vector<1x16xf32>,
        %swap3A_235 = vector.shape_cast %swap3A_234 : vector<1x16xf32> to vector<16xf32>
        %swap3A_236 = vector.shape_cast %mul3A_231 : vector<16xf32> to vector<1x16xf32>
        tpu.vector_store %arg10[%swap3A_232, %swap3A_233], %swap3A_236 {strides = array<i32>} : memref<128x128xf32, #tpu.memory_space<vmem>>, vector<1x16xf32>,
        %get3A_237 = arith.index_cast %add3A_226 : i32 to index
        %get3A_238 = arith.constant 16 : index
        %get3A_239 = tpu.vector_load %arg10[%get3A_237, %get3A_238] {strides = array<i32>} : memref<128x128xf32, #tpu.memory_space<vmem>>, vector<1x16xf32>,
        %get3A_240 = vector.shape_cast %get3A_239 : vector<1x16xf32> to vector<16xf32>
        %mul3A_241 = arith.mulf %get3A_240, %broadcast_in_dim3A_222 : vector<16xf32>
        %swap3A_242 = arith.index_cast %add3A_226 : i32 to index
        %swap3A_243 = arith.constant 16 : index
        %swap3A_244 = tpu.vector_load %arg10[%swap3A_242, %swap3A_243] {strides = array<i32>} : memref<128x128xf32, #tpu.memory_space<vmem>>, vector<1x16xf32>,
        %swap3A_245 = vector.shape_cast %swap3A_244 : vector<1x16xf32> to vector<16xf32>
        %swap3A_246 = vector.shape_cast %mul3A_241 : vector<16xf32> to vector<1x16xf32>
        tpu.vector_store %arg10[%swap3A_242, %swap3A_243], %swap3A_246 {strides = array<i32>} : memref<128x128xf32, #tpu.memory_space<vmem>>, vector<1x16xf32>,
        %get3A_247 = arith.index_cast %add3A_226 : i32 to index
        %get3A_248 = arith.constant 32 : index
        %get3A_249 = tpu.vector_load %arg10[%get3A_247, %get3A_248] {strides = array<i32>} : memref<128x128xf32, #tpu.memory_space<vmem>>, vector<1x16xf32>,
        %get3A_250 = vector.shape_cast %get3A_249 : vector<1x16xf32> to vector<16xf32>
        %mul3A_251 = arith.mulf %get3A_250, %broadcast_in_dim3A_222 : vector<16xf32>
        %swap3A_252 = arith.index_cast %add3A_226 : i32 to index
        %swap3A_253 = arith.constant 32 : index
        %swap3A_254 = tpu.vector_load %arg10[%swap3A_252, %swap3A_253] {strides = array<i32>} : memref<128x128xf32, #tpu.memory_space<vmem>>, vector<1x16xf32>,
        %swap3A_255 = vector.shape_cast %swap3A_254 : vector<1x16xf32> to vector<16xf32>
        %swap3A_256 = vector.shape_cast %mul3A_251 : vector<16xf32> to vector<1x16xf32>
        tpu.vector_store %arg10[%swap3A_252, %swap3A_253], %swap3A_256 {strides = array<i32>} : memref<128x128xf32, #tpu.memory_space<vmem>>, vector<1x16xf32>,
        %get3A_257 = arith.index_cast %add3A_226 : i32 to index
        %get3A_258 = arith.constant 48 : index
        %get3A_259 = tpu.vector_load %arg10[%get3A_257, %get3A_258] {strides = array<i32>} : memref<128x128xf32, #tpu.memory_space<vmem>>, vector<1x16xf32>,
        %get3A_260 = vector.shape_cast %get3A_259 : vector<1x16xf32> to vector<16xf32>
        %mul3A_261 = arith.mulf %get3A_260, %broadcast_in_dim3A_222 : vector<16xf32>
        %swap3A_262 = arith.index_cast %add3A_226 : i32 to index
        %swap3A_263 = arith.constant 48 : index
        %swap3A_264 = tpu.vector_load %arg10[%swap3A_262, %swap3A_263] {strides = array<i32>} : memref<128x128xf32, #tpu.memory_space<vmem>>, vector<1x16xf32>,
        %swap3A_265 = vector.shape_cast %swap3A_264 : vector<1x16xf32> to vector<16xf32>
        %swap3A_266 = vector.shape_cast %mul3A_261 : vector<16xf32> to vector<1x16xf32>
        tpu.vector_store %arg10[%swap3A_262, %swap3A_263], %swap3A_266 {strides = array<i32>} : memref<128x128xf32, #tpu.memory_space<vmem>>, vector<1x16xf32>,
        %get3A_267 = arith.index_cast %add3A_226 : i32 to index
        %get3A_268 = arith.constant 64 : index
        %get3A_269 = tpu.vector_load %arg10[%get3A_267, %get3A_268] {strides = array<i32>} : memref<128x128xf32, #tpu.memory_space<vmem>>, vector<1x16xf32>,
        %get3A_270 = vector.shape_cast %get3A_269 : vector<1x16xf32> to vector<16xf32>
        %mul3A_271 = arith.mulf %get3A_270, %broadcast_in_dim3A_222 : vector<16xf32>
        %swap3A_272 = arith.index_cast %add3A_226 : i32 to index
        %swap3A_273 = arith.constant 64 : index
        %swap3A_274 = tpu.vector_load %arg10[%swap3A_272, %swap3A_273] {strides = array<i32>} : memref<128x128xf32, #tpu.memory_space<vmem>>, vector<1x16xf32>,
        %swap3A_275 = vector.shape_cast %swap3A_274 : vector<1x16xf32> to vector<16xf32>
        %swap3A_276 = vector.shape_cast %mul3A_271 : vector<16xf32> to vector<1x16xf32>
        tpu.vector_store %arg10[%swap3A_272, %swap3A_273], %swap3A_276 {strides = array<i32>} : memref<128x128xf32, #tpu.memory_space<vmem>>, vector<1x16xf32>,
        %get3A_277 = arith.index_cast %add3A_226 : i32 to index
        %get3A_278 = arith.constant 80 : index
        %get3A_279 = tpu.vector_load %arg10[%get3A_277, %get3A_278] {strides = array<i32>} : memref<128x128xf32, #tpu.memory_space<vmem>>, vector<1x16xf32>,
        %get3A_280 = vector.shape_cast %get3A_279 : vector<1x16xf32> to vector<16xf32>
        %mul3A_281 = arith.mulf %get3A_280, %broadcast_in_dim3A_222 : vector<16xf32>
        %swap3A_282 = arith.index_cast %add3A_226 : i32 to index
        %swap3A_283 = arith.constant 80 : index
        %swap3A_284 = tpu.vector_load %arg10[%swap3A_282, %swap3A_283] {strides = array<i32>} : memref<128x128xf32, #tpu.memory_space<vmem>>, vector<1x16xf32>,
        %swap3A_285 = vector.shape_cast %swap3A_284 : vector<1x16xf32> to vector<16xf32>
        %swap3A_286 = vector.shape_cast %mul3A_281 : vector<16xf32> to vector<1x16xf32>
        tpu.vector_store %arg10[%swap3A_282, %swap3A_283], %swap3A_286 {strides = array<i32>} : memref<128x128xf32, #tpu.memory_space<vmem>>, vector<1x16xf32>,
        %get3A_287 = arith.index_cast %add3A_226 : i32 to index
        %get3A_288 = arith.constant 96 : index
        %get3A_289 = tpu.vector_load %arg10[%get3A_287, %get3A_288] {strides = array<i32>} : memref<128x128xf32, #tpu.memory_space<vmem>>, vector<1x16xf32>,
        %get3A_290 = vector.shape_cast %get3A_289 : vector<1x16xf32> to vector<16xf32>
        %mul3A_291 = arith.mulf %get3A_290, %broadcast_in_dim3A_222 : vector<16xf32>
        %swap3A_292 = arith.index_cast %add3A_226 : i32 to index
        %swap3A_293 = arith.constant 96 : index
        %swap3A_294 = tpu.vector_load %arg10[%swap3A_292, %swap3A_293] {strides = array<i32>} : memref<128x128xf32, #tpu.memory_space<vmem>>, vector<1x16xf32>,
        %swap3A_295 = vector.shape_cast %swap3A_294 : vector<1x16xf32> to vector<16xf32>
        %swap3A_296 = vector.shape_cast %mul3A_291 : vector<16xf32> to vector<1x16xf32>
        tpu.vector_store %arg10[%swap3A_292, %swap3A_293], %swap3A_296 {strides = array<i32>} : memref<128x128xf32, #tpu.memory_space<vmem>>, vector<1x16xf32>,
        %get3A_297 = arith.index_cast %add3A_226 : i32 to index
        %get3A_298 = arith.constant 112 : index
        %get3A_299 = tpu.vector_load %arg10[%get3A_297, %get3A_298] {strides = array<i32>} : memref<128x128xf32, #tpu.memory_space<vmem>>, vector<1x16xf32>,
        %get3A_300 = vector.shape_cast %get3A_299 : vector<1x16xf32> to vector<16xf32>
        %mul3A_301 = arith.mulf %get3A_300, %broadcast_in_dim3A_222 : vector<16xf32>
        %swap3A_302 = arith.index_cast %add3A_226 : i32 to index
        %swap3A_303 = arith.constant 112 : index
        %swap3A_304 = tpu.vector_load %arg10[%swap3A_302, %swap3A_303] {strides = array<i32>} : memref<128x128xf32, #tpu.memory_space<vmem>>, vector<1x16xf32>,
        %swap3A_305 = vector.shape_cast %swap3A_304 : vector<1x16xf32> to vector<16xf32>
        %swap3A_306 = vector.shape_cast %mul3A_301 : vector<16xf32> to vector<1x16xf32>
        tpu.vector_store %arg10[%swap3A_302, %swap3A_303], %swap3A_306 {strides = array<i32>} : memref<128x128xf32, #tpu.memory_space<vmem>>, vector<1x16xf32>,
        %slice3A_307 = vector.extract_strided_slice %get3A_48 {offsets = [3], sizes = [1], strides = [1]} : vector<16xf32> to vector<1xf32>
        %squeeze3A_308 = vector.extract %slice3A_307[0] : f32 from vector<1xf32>
        %broadcast_in_dim3A_309 = vector.broadcast %squeeze3A_308 : f32 to vector<16xf32>
        %mul3A_310 = arith.constant 16 : i32
        %mul3A_311 = arith.muli %scan3A_43, %mul3A_310 : i32
        %add3A_312 = arith.constant 3 : i32
        %add3A_313 = arith.addi %mul3A_311, %add3A_312 : i32
        %get3A_314 = arith.index_cast %add3A_313 : i32 to index
        %get3A_315 = arith.constant 0 : index
        %get3A_316 = tpu.vector_load %arg10[%get3A_314, %get3A_315] {strides = array<i32>} : memref<128x128xf32, #tpu.memory_space<vmem>>, vector<1x16xf32>,
        %get3A_317 = vector.shape_cast %get3A_316 : vector<1x16xf32> to vector<16xf32>
        %mul3A_318 = arith.mulf %get3A_317, %broadcast_in_dim3A_309 : vector<16xf32>
        %swap3A_319 = arith.index_cast %add3A_313 : i32 to index
        %swap3A_320 = arith.constant 0 : index
        %swap3A_321 = tpu.vector_load %arg10[%swap3A_319, %swap3A_320] {strides = array<i32>} : memref<128x128xf32, #tpu.memory_space<vmem>>, vector<1x16xf32>,
        %swap3A_322 = vector.shape_cast %swap3A_321 : vector<1x16xf32> to vector<16xf32>
        %swap3A_323 = vector.shape_cast %mul3A_318 : vector<16xf32> to vector<1x16xf32>
        tpu.vector_store %arg10[%swap3A_319, %swap3A_320], %swap3A_323 {strides = array<i32>} : memref<128x128xf32, #tpu.memory_space<vmem>>, vector<1x16xf32>,
        %get3A_324 = arith.index_cast %add3A_313 : i32 to index
        %get3A_325 = arith.constant 16 : index
        %get3A_326 = tpu.vector_load %arg10[%get3A_324, %get3A_325] {strides = array<i32>} : memref<128x128xf32, #tpu.memory_space<vmem>>, vector<1x16xf32>,
        %get3A_327 = vector.shape_cast %get3A_326 : vector<1x16xf32> to vector<16xf32>
        %mul3A_328 = arith.mulf %get3A_327, %broadcast_in_dim3A_309 : vector<16xf32>
        %swap3A_329 = arith.index_cast %add3A_313 : i32 to index
        %swap3A_330 = arith.constant 16 : index
        %swap3A_331 = tpu.vector_load %arg10[%swap3A_329, %swap3A_330] {strides = array<i32>} : memref<128x128xf32, #tpu.memory_space<vmem>>, vector<1x16xf32>,
        %swap3A_332 = vector.shape_cast %swap3A_331 : vector<1x16xf32> to vector<16xf32>
        %swap3A_333 = vector.shape_cast %mul3A_328 : vector<16xf32> to vector<1x16xf32>
        tpu.vector_store %arg10[%swap3A_329, %swap3A_330], %swap3A_333 {strides = array<i32>} : memref<128x128xf32, #tpu.memory_space<vmem>>, vector<1x16xf32>,
        %get3A_334 = arith.index_cast %add3A_313 : i32 to index
        %get3A_335 = arith.constant 32 : index
        %get3A_336 = tpu.vector_load %arg10[%get3A_334, %get3A_335] {strides = array<i32>} : memref<128x128xf32, #tpu.memory_space<vmem>>, vector<1x16xf32>,
        %get3A_337 = vector.shape_cast %get3A_336 : vector<1x16xf32> to vector<16xf32>
        %mul3A_338 = arith.mulf %get3A_337, %broadcast_in_dim3A_309 : vector<16xf32>
        %swap3A_339 = arith.index_cast %add3A_313 : i32 to index
        %swap3A_340 = arith.constant 32 : index
        %swap3A_341 = tpu.vector_load %arg10[%swap3A_339, %swap3A_340] {strides = array<i32>} : memref<128x128xf32, #tpu.memory_space<vmem>>, vector<1x16xf32>,
        %swap3A_342 = vector.shape_cast %swap3A_341 : vector<1x16xf32> to vector<16xf32>
        %swap3A_343 = vector.shape_cast %mul3A_338 : vector<16xf32> to vector<1x16xf32>
        tpu.vector_store %arg10[%swap3A_339, %swap3A_340], %swap3A_343 {strides = array<i32>} : memref<128x128xf32, #tpu.memory_space<vmem>>, vector<1x16xf32>,
        %get3A_344 = arith.index_cast %add3A_313 : i32 to index
        %get3A_345 = arith.constant 48 : index
        %get3A_346 = tpu.vector_load %arg10[%get3A_344, %get3A_345] {strides = array<i32>} : memref<128x128xf32, #tpu.memory_space<vmem>>, vector<1x16xf32>,
        %get3A_347 = vector.shape_cast %get3A_346 : vector<1x16xf32> to vector<16xf32>
        %mul3A_348 = arith.mulf %get3A_347, %broadcast_in_dim3A_309 : vector<16xf32>
        %swap3A_349 = arith.index_cast %add3A_313 : i32 to index
        %swap3A_350 = arith.constant 48 : index
        %swap3A_351 = tpu.vector_load %arg10[%swap3A_349, %swap3A_350] {strides = array<i32>} : memref<128x128xf32, #tpu.memory_space<vmem>>, vector<1x16xf32>,
        %swap3A_352 = vector.shape_cast %swap3A_351 : vector<1x16xf32> to vector<16xf32>
        %swap3A_353 = vector.shape_cast %mul3A_348 : vector<16xf32> to vector<1x16xf32>
        tpu.vector_store %arg10[%swap3A_349, %swap3A_350], %swap3A_353 {strides = array<i32>} : memref<128x128xf32, #tpu.memory_space<vmem>>, vector<1x16xf32>,
        %get3A_354 = arith.index_cast %add3A_313 : i32 to index
        %get3A_355 = arith.constant 64 : index
        %get3A_356 = tpu.vector_load %arg10[%get3A_354, %get3A_355] {strides = array<i32>} : memref<128x128xf32, #tpu.memory_space<vmem>>, vector<1x16xf32>,
        %get3A_357 = vector.shape_cast %get3A_356 : vector<1x16xf32> to vector<16xf32>
        %mul3A_358 = arith.mulf %get3A_357, %broadcast_in_dim3A_309 : vector<16xf32>
        %swap3A_359 = arith.index_cast %add3A_313 : i32 to index
        %swap3A_360 = arith.constant 64 : index
        %swap3A_361 = tpu.vector_load %arg10[%swap3A_359, %swap3A_360] {strides = array<i32>} : memref<128x128xf32, #tpu.memory_space<vmem>>, vector<1x16xf32>,
        %swap3A_362 = vector.shape_cast %swap3A_361 : vector<1x16xf32> to vector<16xf32>
        %swap3A_363 = vector.shape_cast %mul3A_358 : vector<16xf32> to vector<1x16xf32>
        tpu.vector_store %arg10[%swap3A_359, %swap3A_360], %swap3A_363 {strides = array<i32>} : memref<128x128xf32, #tpu.memory_space<vmem>>, vector<1x16xf32>,
        %get3A_364 = arith.index_cast %add3A_313 : i32 to index
        %get3A_365 = arith.constant 80 : index
        %get3A_366 = tpu.vector_load %arg10[%get3A_364, %get3A_365] {strides = array<i32>} : memref<128x128xf32, #tpu.memory_space<vmem>>, vector<1x16xf32>,
        %get3A_367 = vector.shape_cast %get3A_366 : vector<1x16xf32> to vector<16xf32>
        %mul3A_368 = arith.mulf %get3A_367, %broadcast_in_dim3A_309 : vector<16xf32>
        %swap3A_369 = arith.index_cast %add3A_313 : i32 to index
        %swap3A_370 = arith.constant 80 : index
        %swap3A_371 = tpu.vector_load %arg10[%swap3A_369, %swap3A_370] {strides = array<i32>} : memref<128x128xf32, #tpu.memory_space<vmem>>, vector<1x16xf32>,
        %swap3A_372 = vector.shape_cast %swap3A_371 : vector<1x16xf32> to vector<16xf32>
        %swap3A_373 = vector.shape_cast %mul3A_368 : vector<16xf32> to vector<1x16xf32>
        tpu.vector_store %arg10[%swap3A_369, %swap3A_370], %swap3A_373 {strides = array<i32>} : memref<128x128xf32, #tpu.memory_space<vmem>>, vector<1x16xf32>,
        %get3A_374 = arith.index_cast %add3A_313 : i32 to index
        %get3A_375 = arith.constant 96 : index
        %get3A_376 = tpu.vector_load %arg10[%get3A_374, %get3A_375] {strides = array<i32>} : memref<128x128xf32, #tpu.memory_space<vmem>>, vector<1x16xf32>,
        %get3A_377 = vector.shape_cast %get3A_376 : vector<1x16xf32> to vector<16xf32>
        %mul3A_378 = arith.mulf %get3A_377, %broadcast_in_dim3A_309 : vector<16xf32>
        %swap3A_379 = arith.index_cast %add3A_313 : i32 to index
        %swap3A_380 = arith.constant 96 : index
        %swap3A_381 = tpu.vector_load %arg10[%swap3A_379, %swap3A_380] {strides = array<i32>} : memref<128x128xf32, #tpu.memory_space<vmem>>, vector<1x16xf32>,
        %swap3A_382 = vector.shape_cast %swap3A_381 : vector<1x16xf32> to vector<16xf32>
        %swap3A_383 = vector.shape_cast %mul3A_378 : vector<16xf32> to vector<1x16xf32>
        tpu.vector_store %arg10[%swap3A_379, %swap3A_380], %swap3A_383 {strides = array<i32>} : memref<128x128xf32, #tpu.memory_space<vmem>>, vector<1x16xf32>,
        %get3A_384 = arith.index_cast %add3A_313 : i32 to index
        %get3A_385 = arith.constant 112 : index
        %get3A_386 = tpu.vector_load %arg10[%get3A_384, %get3A_385] {strides = array<i32>} : memref<128x128xf32, #tpu.memory_space<vmem>>, vector<1x16xf32>,
        %get3A_387 = vector.shape_cast %get3A_386 : vector<1x16xf32> to vector<16xf32>
        %mul3A_388 = arith.mulf %get3A_387, %broadcast_in_dim3A_309 : vector<16xf32>
        %swap3A_389 = arith.index_cast %add3A_313 : i32 to index
        %swap3A_390 = arith.constant 112 : index
        %swap3A_391 = tpu.vector_load %arg10[%swap3A_389, %swap3A_390] {strides = array<i32>} : memref<128x128xf32, #tpu.memory_space<vmem>>, vector<1x16xf32>,
        %swap3A_392 = vector.shape_cast %swap3A_391 : vector<1x16xf32> to vector<16xf32>
        %swap3A_393 = vector.shape_cast %mul3A_388 : vector<16xf32> to vector<1x16xf32>
        tpu.vector_store %arg10[%swap3A_389, %swap3A_390], %swap3A_393 {strides = array<i32>} : memref<128x128xf32, #tpu.memory_space<vmem>>, vector<1x16xf32>,
        %slice3A_394 = vector.extract_strided_slice %get3A_48 {offsets = [4], sizes = [1], strides = [1]} : vector<16xf32> to vector<1xf32>
        %squeeze3A_395 = vector.extract %slice3A_394[0] : f32 from vector<1xf32>
        %broadcast_in_dim3A_396 = vector.broadcast %squeeze3A_395 : f32 to vector<16xf32>
        %mul3A_397 = arith.constant 16 : i32
        %mul3A_398 = arith.muli %scan3A_43, %mul3A_397 : i32
        %add3A_399 = arith.constant 4 : i32
        %add3A_400 = arith.addi %mul3A_398, %add3A_399 : i32
        %get3A_401 = arith.index_cast %add3A_400 : i32 to index
        %get3A_402 = arith.constant 0 : index
        %get3A_403 = tpu.vector_load %arg10[%get3A_401, %get3A_402] {strides = array<i32>} : memref<128x128xf32, #tpu.memory_space<vmem>>, vector<1x16xf32>,
        %get3A_404 = vector.shape_cast %get3A_403 : vector<1x16xf32> to vector<16xf32>
        %mul3A_405 = arith.mulf %get3A_404, %broadcast_in_dim3A_396 : vector<16xf32>
        %swap3A_406 = arith.index_cast %add3A_400 : i32 to index
        %swap3A_407 = arith.constant 0 : index
        %swap3A_408 = tpu.vector_load %arg10[%swap3A_406, %swap3A_407] {strides = array<i32>} : memref<128x128xf32, #tpu.memory_space<vmem>>, vector<1x16xf32>,
        %swap3A_409 = vector.shape_cast %swap3A_408 : vector<1x16xf32> to vector<16xf32>
        %swap3A_410 = vector.shape_cast %mul3A_405 : vector<16xf32> to vector<1x16xf32>
        tpu.vector_store %arg10[%swap3A_406, %swap3A_407], %swap3A_410 {strides = array<i32>} : memref<128x128xf32, #tpu.memory_space<vmem>>, vector<1x16xf32>,
        %get3A_411 = arith.index_cast %add3A_400 : i32 to index
        %get3A_412 = arith.constant 16 : index
        %get3A_413 = tpu.vector_load %arg10[%get3A_411, %get3A_412] {strides = array<i32>} : memref<128x128xf32, #tpu.memory_space<vmem>>, vector<1x16xf32>,
        %get3A_414 = vector.shape_cast %get3A_413 : vector<1x16xf32> to vector<16xf32>
        %mul3A_415 = arith.mulf %get3A_414, %broadcast_in_dim3A_396 : vector<16xf32>
        %swap3A_416 = arith.index_cast %add3A_400 : i32 to index
        %swap3A_417 = arith.constant 16 : index
        %swap3A_418 = tpu.vector_load %arg10[%swap3A_416, %swap3A_417] {strides = array<i32>} : memref<128x128xf32, #tpu.memory_space<vmem>>, vector<1x16xf32>,
        %swap3A_419 = vector.shape_cast %swap3A_418 : vector<1x16xf32> to vector<16xf32>
        %swap3A_420 = vector.shape_cast %mul3A_415 : vector<16xf32> to vector<1x16xf32>
        tpu.vector_store %arg10[%swap3A_416, %swap3A_417], %swap3A_420 {strides = array<i32>} : memref<128x128xf32, #tpu.memory_space<vmem>>, vector<1x16xf32>,
        %get3A_421 = arith.index_cast %add3A_400 : i32 to index
        %get3A_422 = arith.constant 32 : index
        %get3A_423 = tpu.vector_load %arg10[%get3A_421, %get3A_422] {strides = array<i32>} : memref<128x128xf32, #tpu.memory_space<vmem>>, vector<1x16xf32>,
        %get3A_424 = vector.shape_cast %get3A_423 : vector<1x16xf32> to vector<16xf32>
        %mul3A_425 = arith.mulf %get3A_424, %broadcast_in_dim3A_396 : vector<16xf32>
        %swap3A_426 = arith.index_cast %add3A_400 : i32 to index
        %swap3A_427 = arith.constant 32 : index
        %swap3A_428 = tpu.vector_load %arg10[%swap3A_426, %swap3A_427] {strides = array<i32>} : memref<128x128xf32, #tpu.memory_space<vmem>>, vector<1x16xf32>,
        %swap3A_429 = vector.shape_cast %swap3A_428 : vector<1x16xf32> to vector<16xf32>
        %swap3A_430 = vector.shape_cast %mul3A_425 : vector<16xf32> to vector<1x16xf32>
        tpu.vector_store %arg10[%swap3A_426, %swap3A_427], %swap3A_430 {strides = array<i32>} : memref<128x128xf32, #tpu.memory_space<vmem>>, vector<1x16xf32>,
        %get3A_431 = arith.index_cast %add3A_400 : i32 to index
        %get3A_432 = arith.constant 48 : index
        %get3A_433 = tpu.vector_load %arg10[%get3A_431, %get3A_432] {strides = array<i32>} : memref<128x128xf32, #tpu.memory_space<vmem>>, vector<1x16xf32>,
        %get3A_434 = vector.shape_cast %get3A_433 : vector<1x16xf32> to vector<16xf32>
        %mul3A_435 = arith.mulf %get3A_434, %broadcast_in_dim3A_396 : vector<16xf32>
        %swap3A_436 = arith.index_cast %add3A_400 : i32 to index
        %swap3A_437 = arith.constant 48 : index
        %swap3A_438 = tpu.vector_load %arg10[%swap3A_436, %swap3A_437] {strides = array<i32>} : memref<128x128xf32, #tpu.memory_space<vmem>>, vector<1x16xf32>,
        %swap3A_439 = vector.shape_cast %swap3A_438 : vector<1x16xf32> to vector<16xf32>
        %swap3A_440 = vector.shape_cast %mul3A_435 : vector<16xf32> to vector<1x16xf32>
        tpu.vector_store %arg10[%swap3A_436, %swap3A_437], %swap3A_440 {strides = array<i32>} : memref<128x128xf32, #tpu.memory_space<vmem>>, vector<1x16xf32>,
        %get3A_441 = arith.index_cast %add3A_400 : i32 to index
        %get3A_442 = arith.constant 64 : index
        %get3A_443 = tpu.vector_load %arg10[%get3A_441, %get3A_442] {strides = array<i32>} : memref<128x128xf32, #tpu.memory_space<vmem>>, vector<1x16xf32>,
        %get3A_444 = vector.shape_cast %get3A_443 : vector<1x16xf32> to vector<16xf32>
        %mul3A_445 = arith.mulf %get3A_444, %broadcast_in_dim3A_396 : vector<16xf32>
        %swap3A_446 = arith.index_cast %add3A_400 : i32 to index
        %swap3A_447 = arith.constant 64 : index
        %swap3A_448 = tpu.vector_load %arg10[%swap3A_446, %swap3A_447] {strides = array<i32>} : memref<128x128xf32, #tpu.memory_space<vmem>>, vector<1x16xf32>,
        %swap3A_449 = vector.shape_cast %swap3A_448 : vector<1x16xf32> to vector<16xf32>
        %swap3A_450 = vector.shape_cast %mul3A_445 : vector<16xf32> to vector<1x16xf32>
        tpu.vector_store %arg10[%swap3A_446, %swap3A_447], %swap3A_450 {strides = array<i32>} : memref<128x128xf32, #tpu.memory_space<vmem>>, vector<1x16xf32>,
        %get3A_451 = arith.index_cast %add3A_400 : i32 to index
        %get3A_452 = arith.constant 80 : index
        %get3A_453 = tpu.vector_load %arg10[%get3A_451, %get3A_452] {strides = array<i32>} : memref<128x128xf32, #tpu.memory_space<vmem>>, vector<1x16xf32>,
        %get3A_454 = vector.shape_cast %get3A_453 : vector<1x16xf32> to vector<16xf32>
        %mul3A_455 = arith.mulf %get3A_454, %broadcast_in_dim3A_396 : vector<16xf32>
        %swap3A_456 = arith.index_cast %add3A_400 : i32 to index
        %swap3A_457 = arith.constant 80 : index
        %swap3A_458 = tpu.vector_load %arg10[%swap3A_456, %swap3A_457] {strides = array<i32>} : memref<128x128xf32, #tpu.memory_space<vmem>>, vector<1x16xf32>,
        %swap3A_459 = vector.shape_cast %swap3A_458 : vector<1x16xf32> to vector<16xf32>
        %swap3A_460 = vector.shape_cast %mul3A_455 : vector<16xf32> to vector<1x16xf32>
        tpu.vector_store %arg10[%swap3A_456, %swap3A_457], %swap3A_460 {strides = array<i32>} : memref<128x128xf32, #tpu.memory_space<vmem>>, vector<1x16xf32>,
        %get3A_461 = arith.index_cast %add3A_400 : i32 to index
        %get3A_462 = arith.constant 96 : index
        %get3A_463 = tpu.vector_load %arg10[%get3A_461, %get3A_462] {strides = array<i32>} : memref<128x128xf32, #tpu.memory_space<vmem>>, vector<1x16xf32>,
        %get3A_464 = vector.shape_cast %get3A_463 : vector<1x16xf32> to vector<16xf32>
        %mul3A_465 = arith.mulf %get3A_464, %broadcast_in_dim3A_396 : vector<16xf32>
        %swap3A_466 = arith.index_cast %add3A_400 : i32 to index
        %swap3A_467 = arith.constant 96 : index
        %swap3A_468 = tpu.vector_load %arg10[%swap3A_466, %swap3A_467] {strides = array<i32>} : memref<128x128xf32, #tpu.memory_space<vmem>>, vector<1x16xf32>,
        %swap3A_469 = vector.shape_cast %swap3A_468 : vector<1x16xf32> to vector<16xf32>
        %swap3A_470 = vector.shape_cast %mul3A_465 : vector<16xf32> to vector<1x16xf32>
        tpu.vector_store %arg10[%swap3A_466, %swap3A_467], %swap3A_470 {strides = array<i32>} : memref<128x128xf32, #tpu.memory_space<vmem>>, vector<1x16xf32>,
        %get3A_471 = arith.index_cast %add3A_400 : i32 to index
        %get3A_472 = arith.constant 112 : index
        %get3A_473 = tpu.vector_load %arg10[%get3A_471, %get3A_472] {strides = array<i32>} : memref<128x128xf32, #tpu.memory_space<vmem>>, vector<1x16xf32>,
        %get3A_474 = vector.shape_cast %get3A_473 : vector<1x16xf32> to vector<16xf32>
        %mul3A_475 = arith.mulf %get3A_474, %broadcast_in_dim3A_396 : vector<16xf32>
        %swap3A_476 = arith.index_cast %add3A_400 : i32 to index
        %swap3A_477 = arith.constant 112 : index
        %swap3A_478 = tpu.vector_load %arg10[%swap3A_476, %swap3A_477] {strides = array<i32>} : memref<128x128xf32, #tpu.memory_space<vmem>>, vector<1x16xf32>,
        %swap3A_479 = vector.shape_cast %swap3A_478 : vector<1x16xf32> to vector<16xf32>
        %swap3A_480 = vector.shape_cast %mul3A_475 : vector<16xf32> to vector<1x16xf32>
        tpu.vector_store %arg10[%swap3A_476, %swap3A_477], %swap3A_480 {strides = array<i32>} : memref<128x128xf32, #tpu.memory_space<vmem>>, vector<1x16xf32>,
        %slice3A_481 = vector.extract_strided_slice %get3A_48 {offsets = [5], sizes = [1], strides = [1]} : vector<16xf32> to vector<1xf32>
        %squeeze3A_482 = vector.extract %slice3A_481[0] : f32 from vector<1xf32>
        %broadcast_in_dim3A_483 = vector.broadcast %squeeze3A_482 : f32 to vector<16xf32>
        %mul3A_484 = arith.constant 16 : i32
        %mul3A_485 = arith.muli %scan3A_43, %mul3A_484 : i32
        %add3A_486 = arith.constant 5 : i32
        %add3A_487 = arith.addi %mul3A_485, %add3A_486 : i32
        %get3A_488 = arith.index_cast %add3A_487 : i32 to index
        %get3A_489 = arith.constant 0 : index
        %get3A_490 = tpu.vector_load %arg10[%get3A_488, %get3A_489] {strides = array<i32>} : memref<128x128xf32, #tpu.memory_space<vmem>>, vector<1x16xf32>,
        %get3A_491 = vector.shape_cast %get3A_490 : vector<1x16xf32> to vector<16xf32>
        %mul3A_492 = arith.mulf %get3A_491, %broadcast_in_dim3A_483 : vector<16xf32>
        %swap3A_493 = arith.index_cast %add3A_487 : i32 to index
        %swap3A_494 = arith.constant 0 : index
        %swap3A_495 = tpu.vector_load %arg10[%swap3A_493, %swap3A_494] {strides = array<i32>} : memref<128x128xf32, #tpu.memory_space<vmem>>, vector<1x16xf32>,
        %swap3A_496 = vector.shape_cast %swap3A_495 : vector<1x16xf32> to vector<16xf32>
        %swap3A_497 = vector.shape_cast %mul3A_492 : vector<16xf32> to vector<1x16xf32>
        tpu.vector_store %arg10[%swap3A_493, %swap3A_494], %swap3A_497 {strides = array<i32>} : memref<128x128xf32, #tpu.memory_space<vmem>>, vector<1x16xf32>,
        %get3A_498 = arith.index_cast %add3A_487 : i32 to index
        %get3A_499 = arith.constant 16 : index
        %get3A_500 = tpu.vector_load %arg10[%get3A_498, %get3A_499] {strides = array<i32>} : memref<128x128xf32, #tpu.memory_space<vmem>>, vector<1x16xf32>,
        %get3A_501 = vector.shape_cast %get3A_500 : vector<1x16xf32> to vector<16xf32>
        %mul3A_502 = arith.mulf %get3A_501, %broadcast_in_dim3A_483 : vector<16xf32>
        %swap3A_503 = arith.index_cast %add3A_487 : i32 to index
        %swap3A_504 = arith.constant 16 : index
        %swap3A_505 = tpu.vector_load %arg10[%swap3A_503, %swap3A_504] {strides = array<i32>} : memref<128x128xf32, #tpu.memory_space<vmem>>, vector<1x16xf32>,
        %swap3A_506 = vector.shape_cast %swap3A_505 : vector<1x16xf32> to vector<16xf32>
        %swap3A_507 = vector.shape_cast %mul3A_502 : vector<16xf32> to vector<1x16xf32>
        tpu.vector_store %arg10[%swap3A_503, %swap3A_504], %swap3A_507 {strides = array<i32>} : memref<128x128xf32, #tpu.memory_space<vmem>>, vector<1x16xf32>,
        %get3A_508 = arith.index_cast %add3A_487 : i32 to index
        %get3A_509 = arith.constant 32 : index
        %get3A_510 = tpu.vector_load %arg10[%get3A_508, %get3A_509] {strides = array<i32>} : memref<128x128xf32, #tpu.memory_space<vmem>>, vector<1x16xf32>,
        %get3A_511 = vector.shape_cast %get3A_510 : vector<1x16xf32> to vector<16xf32>
        %mul3A_512 = arith.mulf %get3A_511, %broadcast_in_dim3A_483 : vector<16xf32>
        %swap3A_513 = arith.index_cast %add3A_487 : i32 to index
        %swap3A_514 = arith.constant 32 : index
        %swap3A_515 = tpu.vector_load %arg10[%swap3A_513, %swap3A_514] {strides = array<i32>} : memref<128x128xf32, #tpu.memory_space<vmem>>, vector<1x16xf32>,
        %swap3A_516 = vector.shape_cast %swap3A_515 : vector<1x16xf32> to vector<16xf32>
        %swap3A_517 = vector.shape_cast %mul3A_512 : vector<16xf32> to vector<1x16xf32>
        tpu.vector_store %arg10[%swap3A_513, %swap3A_514], %swap3A_517 {strides = array<i32>} : memref<128x128xf32, #tpu.memory_space<vmem>>, vector<1x16xf32>,
        %get3A_518 = arith.index_cast %add3A_487 : i32 to index
        %get3A_519 = arith.constant 48 : index
        %get3A_520 = tpu.vector_load %arg10[%get3A_518, %get3A_519] {strides = array<i32>} : memref<128x128xf32, #tpu.memory_space<vmem>>, vector<1x16xf32>,
        %get3A_521 = vector.shape_cast %get3A_520 : vector<1x16xf32> to vector<16xf32>
        %mul3A_522 = arith.mulf %get3A_521, %broadcast_in_dim3A_483 : vector<16xf32>
        %swap3A_523 = arith.index_cast %add3A_487 : i32 to index
        %swap3A_524 = arith.constant 48 : index
        %swap3A_525 = tpu.vector_load %arg10[%swap3A_523, %swap3A_524] {strides = array<i32>} : memref<128x128xf32, #tpu.memory_space<vmem>>, vector<1x16xf32>,
        %swap3A_526 = vector.shape_cast %swap3A_525 : vector<1x16xf32> to vector<16xf32>
        %swap3A_527 = vector.shape_cast %mul3A_522 : vector<16xf32> to vector<1x16xf32>
        tpu.vector_store %arg10[%swap3A_523, %swap3A_524], %swap3A_527 {strides = array<i32>} : memref<128x128xf32, #tpu.memory_space<vmem>>, vector<1x16xf32>,
        %get3A_528 = arith.index_cast %add3A_487 : i32 to index
        %get3A_529 = arith.constant 64 : index
        %get3A_530 = tpu.vector_load %arg10[%get3A_528, %get3A_529] {strides = array<i32>} : memref<128x128xf32, #tpu.memory_space<vmem>>, vector<1x16xf32>,
        %get3A_531 = vector.shape_cast %get3A_530 : vector<1x16xf32> to vector<16xf32>
        %mul3A_532 = arith.mulf %get3A_531, %broadcast_in_dim3A_483 : vector<16xf32>
        %swap3A_533 = arith.index_cast %add3A_487 : i32 to index
        %swap3A_534 = arith.constant 64 : index
        %swap3A_535 = tpu.vector_load %arg10[%swap3A_533, %swap3A_534] {strides = array<i32>} : memref<128x128xf32, #tpu.memory_space<vmem>>, vector<1x16xf32>,
        %swap3A_536 = vector.shape_cast %swap3A_535 : vector<1x16xf32> to vector<16xf32>
        %swap3A_537 = vector.shape_cast %mul3A_532 : vector<16xf32> to vector<1x16xf32>
        tpu.vector_store %arg10[%swap3A_533, %swap3A_534], %swap3A_537 {strides = array<i32>} : memref<128x128xf32, #tpu.memory_space<vmem>>, vector<1x16xf32>,
        %get3A_538 = arith.index_cast %add3A_487 : i32 to index
        %get3A_539 = arith.constant 80 : index
        %get3A_540 = tpu.vector_load %arg10[%get3A_538, %get3A_539] {strides = array<i32>} : memref<128x128xf32, #tpu.memory_space<vmem>>, vector<1x16xf32>,
        %get3A_541 = vector.shape_cast %get3A_540 : vector<1x16xf32> to vector<16xf32>
        %mul3A_542 = arith.mulf %get3A_541, %broadcast_in_dim3A_483 : vector<16xf32>
        %swap3A_543 = arith.index_cast %add3A_487 : i32 to index
        %swap3A_544 = arith.constant 80 : index
        %swap3A_545 = tpu.vector_load %arg10[%swap3A_543, %swap3A_544] {strides = array<i32>} : memref<128x128xf32, #tpu.memory_space<vmem>>, vector<1x16xf32>,
        %swap3A_546 = vector.shape_cast %swap3A_545 : vector<1x16xf32> to vector<16xf32>
        %swap3A_547 = vector.shape_cast %mul3A_542 : vector<16xf32> to vector<1x16xf32>
        tpu.vector_store %arg10[%swap3A_543, %swap3A_544], %swap3A_547 {strides = array<i32>} : memref<128x128xf32, #tpu.memory_space<vmem>>, vector<1x16xf32>,
        %get3A_548 = arith.index_cast %add3A_487 : i32 to index
        %get3A_549 = arith.constant 96 : index
        %get3A_550 = tpu.vector_load %arg10[%get3A_548, %get3A_549] {strides = array<i32>} : memref<128x128xf32, #tpu.memory_space<vmem>>, vector<1x16xf32>,
        %get3A_551 = vector.shape_cast %get3A_550 : vector<1x16xf32> to vector<16xf32>
        %mul3A_552 = arith.mulf %get3A_551, %broadcast_in_dim3A_483 : vector<16xf32>
        %swap3A_553 = arith.index_cast %add3A_487 : i32 to index
        %swap3A_554 = arith.constant 96 : index
        %swap3A_555 = tpu.vector_load %arg10[%swap3A_553, %swap3A_554] {strides = array<i32>} : memref<128x128xf32, #tpu.memory_space<vmem>>, vector<1x16xf32>,
        %swap3A_556 = vector.shape_cast %swap3A_555 : vector<1x16xf32> to vector<16xf32>
        %swap3A_557 = vector.shape_cast %mul3A_552 : vector<16xf32> to vector<1x16xf32>
        tpu.vector_store %arg10[%swap3A_553, %swap3A_554], %swap3A_557 {strides = array<i32>} : memref<128x128xf32, #tpu.memory_space<vmem>>, vector<1x16xf32>,
        %get3A_558 = arith.index_cast %add3A_487 : i32 to index
        %get3A_559 = arith.constant 112 : index
        %get3A_560 = tpu.vector_load %arg10[%get3A_558, %get3A_559] {strides = array<i32>} : memref<128x128xf32, #tpu.memory_space<vmem>>, vector<1x16xf32>,
        %get3A_561 = vector.shape_cast %get3A_560 : vector<1x16xf32> to vector<16xf32>
        %mul3A_562 = arith.mulf %get3A_561, %broadcast_in_dim3A_483 : vector<16xf32>
        %swap3A_563 = arith.index_cast %add3A_487 : i32 to index
        %swap3A_564 = arith.constant 112 : index
        %swap3A_565 = tpu.vector_load %arg10[%swap3A_563, %swap3A_564] {strides = array<i32>} : memref<128x128xf32, #tpu.memory_space<vmem>>, vector<1x16xf32>,
        %swap3A_566 = vector.shape_cast %swap3A_565 : vector<1x16xf32> to vector<16xf32>
        %swap3A_567 = vector.shape_cast %mul3A_562 : vector<16xf32> to vector<1x16xf32>
        tpu.vector_store %arg10[%swap3A_563, %swap3A_564], %swap3A_567 {strides = array<i32>} : memref<128x128xf32, #tpu.memory_space<vmem>>, vector<1x16xf32>,
        %slice3A_568 = vector.extract_strided_slice %get3A_48 {offsets = [6], sizes = [1], strides = [1]} : vector<16xf32> to vector<1xf32>
        %squeeze3A_569 = vector.extract %slice3A_568[0] : f32 from vector<1xf32>
        %broadcast_in_dim3A_570 = vector.broadcast %squeeze3A_569 : f32 to vector<16xf32>
        %mul3A_571 = arith.constant 16 : i32
        %mul3A_572 = arith.muli %scan3A_43, %mul3A_571 : i32
        %add3A_573 = arith.constant 6 : i32
        %add3A_574 = arith.addi %mul3A_572, %add3A_573 : i32
        %get3A_575 = arith.index_cast %add3A_574 : i32 to index
        %get3A_576 = arith.constant 0 : index
        %get3A_577 = tpu.vector_load %arg10[%get3A_575, %get3A_576] {strides = array<i32>} : memref<128x128xf32, #tpu.memory_space<vmem>>, vector<1x16xf32>,
        %get3A_578 = vector.shape_cast %get3A_577 : vector<1x16xf32> to vector<16xf32>
        %mul3A_579 = arith.mulf %get3A_578, %broadcast_in_dim3A_570 : vector<16xf32>
        %swap3A_580 = arith.index_cast %add3A_574 : i32 to index
        %swap3A_581 = arith.constant 0 : index
        %swap3A_582 = tpu.vector_load %arg10[%swap3A_580, %swap3A_581] {strides = array<i32>} : memref<128x128xf32, #tpu.memory_space<vmem>>, vector<1x16xf32>,
        %swap3A_583 = vector.shape_cast %swap3A_582 : vector<1x16xf32> to vector<16xf32>
        %swap3A_584 = vector.shape_cast %mul3A_579 : vector<16xf32> to vector<1x16xf32>
        tpu.vector_store %arg10[%swap3A_580, %swap3A_581], %swap3A_584 {strides = array<i32>} : memref<128x128xf32, #tpu.memory_space<vmem>>, vector<1x16xf32>,
        %get3A_585 = arith.index_cast %add3A_574 : i32 to index
        %get3A_586 = arith.constant 16 : index
        %get3A_587 = tpu.vector_load %arg10[%get3A_585, %get3A_586] {strides = array<i32>} : memref<128x128xf32, #tpu.memory_space<vmem>>, vector<1x16xf32>,
        %get3A_588 = vector.shape_cast %get3A_587 : vector<1x16xf32> to vector<16xf32>
        %mul3A_589 = arith.mulf %get3A_588, %broadcast_in_dim3A_570 : vector<16xf32>
        %swap3A_590 = arith.index_cast %add3A_574 : i32 to index
        %swap3A_591 = arith.constant 16 : index
        %swap3A_592 = tpu.vector_load %arg10[%swap3A_590, %swap3A_591] {strides = array<i32>} : memref<128x128xf32, #tpu.memory_space<vmem>>, vector<1x16xf32>,
        %swap3A_593 = vector.shape_cast %swap3A_592 : vector<1x16xf32> to vector<16xf32>
        %swap3A_594 = vector.shape_cast %mul3A_589 : vector<16xf32> to vector<1x16xf32>
        tpu.vector_store %arg10[%swap3A_590, %swap3A_591], %swap3A_594 {strides = array<i32>} : memref<128x128xf32, #tpu.memory_space<vmem>>, vector<1x16xf32>,
        %get3A_595 = arith.index_cast %add3A_574 : i32 to index
        %get3A_596 = arith.constant 32 : index
        %get3A_597 = tpu.vector_load %arg10[%get3A_595, %get3A_596] {strides = array<i32>} : memref<128x128xf32, #tpu.memory_space<vmem>>, vector<1x16xf32>,
        %get3A_598 = vector.shape_cast %get3A_597 : vector<1x16xf32> to vector<16xf32>
        %mul3A_599 = arith.mulf %get3A_598, %broadcast_in_dim3A_570 : vector<16xf32>
        %swap3A_600 = arith.index_cast %add3A_574 : i32 to index
        %swap3A_601 = arith.constant 32 : index
        %swap3A_602 = tpu.vector_load %arg10[%swap3A_600, %swap3A_601] {strides = array<i32>} : memref<128x128xf32, #tpu.memory_space<vmem>>, vector<1x16xf32>,
        %swap3A_603 = vector.shape_cast %swap3A_602 : vector<1x16xf32> to vector<16xf32>
        %swap3A_604 = vector.shape_cast %mul3A_599 : vector<16xf32> to vector<1x16xf32>
        tpu.vector_store %arg10[%swap3A_600, %swap3A_601], %swap3A_604 {strides = array<i32>} : memref<128x128xf32, #tpu.memory_space<vmem>>, vector<1x16xf32>,
        %get3A_605 = arith.index_cast %add3A_574 : i32 to index
        %get3A_606 = arith.constant 48 : index
        %get3A_607 = tpu.vector_load %arg10[%get3A_605, %get3A_606] {strides = array<i32>} : memref<128x128xf32, #tpu.memory_space<vmem>>, vector<1x16xf32>,
        %get3A_608 = vector.shape_cast %get3A_607 : vector<1x16xf32> to vector<16xf32>
        %mul3A_609 = arith.mulf %get3A_608, %broadcast_in_dim3A_570 : vector<16xf32>
        %swap3A_610 = arith.index_cast %add3A_574 : i32 to index
        %swap3A_611 = arith.constant 48 : index
        %swap3A_612 = tpu.vector_load %arg10[%swap3A_610, %swap3A_611] {strides = array<i32>} : memref<128x128xf32, #tpu.memory_space<vmem>>, vector<1x16xf32>,
        %swap3A_613 = vector.shape_cast %swap3A_612 : vector<1x16xf32> to vector<16xf32>
        %swap3A_614 = vector.shape_cast %mul3A_609 : vector<16xf32> to vector<1x16xf32>
        tpu.vector_store %arg10[%swap3A_610, %swap3A_611], %swap3A_614 {strides = array<i32>} : memref<128x128xf32, #tpu.memory_space<vmem>>, vector<1x16xf32>,
        %get3A_615 = arith.index_cast %add3A_574 : i32 to index
        %get3A_616 = arith.constant 64 : index
        %get3A_617 = tpu.vector_load %arg10[%get3A_615, %get3A_616] {strides = array<i32>} : memref<128x128xf32, #tpu.memory_space<vmem>>, vector<1x16xf32>,
        %get3A_618 = vector.shape_cast %get3A_617 : vector<1x16xf32> to vector<16xf32>
        %mul3A_619 = arith.mulf %get3A_618, %broadcast_in_dim3A_570 : vector<16xf32>
        %swap3A_620 = arith.index_cast %add3A_574 : i32 to index
        %swap3A_621 = arith.constant 64 : index
        %swap3A_622 = tpu.vector_load %arg10[%swap3A_620, %swap3A_621] {strides = array<i32>} : memref<128x128xf32, #tpu.memory_space<vmem>>, vector<1x16xf32>,
        %swap3A_623 = vector.shape_cast %swap3A_622 : vector<1x16xf32> to vector<16xf32>
        %swap3A_624 = vector.shape_cast %mul3A_619 : vector<16xf32> to vector<1x16xf32>
        tpu.vector_store %arg10[%swap3A_620, %swap3A_621], %swap3A_624 {strides = array<i32>} : memref<128x128xf32, #tpu.memory_space<vmem>>, vector<1x16xf32>,
        %get3A_625 = arith.index_cast %add3A_574 : i32 to index
        %get3A_626 = arith.constant 80 : index
        %get3A_627 = tpu.vector_load %arg10[%get3A_625, %get3A_626] {strides = array<i32>} : memref<128x128xf32, #tpu.memory_space<vmem>>, vector<1x16xf32>,
        %get3A_628 = vector.shape_cast %get3A_627 : vector<1x16xf32> to vector<16xf32>
        %mul3A_629 = arith.mulf %get3A_628, %broadcast_in_dim3A_570 : vector<16xf32>
        %swap3A_630 = arith.index_cast %add3A_574 : i32 to index
        %swap3A_631 = arith.constant 80 : index
        %swap3A_632 = tpu.vector_load %arg10[%swap3A_630, %swap3A_631] {strides = array<i32>} : memref<128x128xf32, #tpu.memory_space<vmem>>, vector<1x16xf32>,
        %swap3A_633 = vector.shape_cast %swap3A_632 : vector<1x16xf32> to vector<16xf32>
        %swap3A_634 = vector.shape_cast %mul3A_629 : vector<16xf32> to vector<1x16xf32>
        tpu.vector_store %arg10[%swap3A_630, %swap3A_631], %swap3A_634 {strides = array<i32>} : memref<128x128xf32, #tpu.memory_space<vmem>>, vector<1x16xf32>,
        %get3A_635 = arith.index_cast %add3A_574 : i32 to index
        %get3A_636 = arith.constant 96 : index
        %get3A_637 = tpu.vector_load %arg10[%get3A_635, %get3A_636] {strides = array<i32>} : memref<128x128xf32, #tpu.memory_space<vmem>>, vector<1x16xf32>,
        %get3A_638 = vector.shape_cast %get3A_637 : vector<1x16xf32> to vector<16xf32>
        %mul3A_639 = arith.mulf %get3A_638, %broadcast_in_dim3A_570 : vector<16xf32>
        %swap3A_640 = arith.index_cast %add3A_574 : i32 to index
        %swap3A_641 = arith.constant 96 : index
        %swap3A_642 = tpu.vector_load %arg10[%swap3A_640, %swap3A_641] {strides = array<i32>} : memref<128x128xf32, #tpu.memory_space<vmem>>, vector<1x16xf32>,
        %swap3A_643 = vector.shape_cast %swap3A_642 : vector<1x16xf32> to vector<16xf32>
        %swap3A_644 = vector.shape_cast %mul3A_639 : vector<16xf32> to vector<1x16xf32>
        tpu.vector_store %arg10[%swap3A_640, %swap3A_641], %swap3A_644 {strides = array<i32>} : memref<128x128xf32, #tpu.memory_space<vmem>>, vector<1x16xf32>,
        %get3A_645 = arith.index_cast %add3A_574 : i32 to index
        %get3A_646 = arith.constant 112 : index
        %get3A_647 = tpu.vector_load %arg10[%get3A_645, %get3A_646] {strides = array<i32>} : memref<128x128xf32, #tpu.memory_space<vmem>>, vector<1x16xf32>,
        %get3A_648 = vector.shape_cast %get3A_647 : vector<1x16xf32> to vector<16xf32>
        %mul3A_649 = arith.mulf %get3A_648, %broadcast_in_dim3A_570 : vector<16xf32>
        %swap3A_650 = arith.index_cast %add3A_574 : i32 to index
        %swap3A_651 = arith.constant 112 : index
        %swap3A_652 = tpu.vector_load %arg10[%swap3A_650, %swap3A_651] {strides = array<i32>} : memref<128x128xf32, #tpu.memory_space<vmem>>, vector<1x16xf32>,
        %swap3A_653 = vector.shape_cast %swap3A_652 : vector<1x16xf32> to vector<16xf32>
        %swap3A_654 = vector.shape_cast %mul3A_649 : vector<16xf32> to vector<1x16xf32>
        tpu.vector_store %arg10[%swap3A_650, %swap3A_651], %swap3A_654 {strides = array<i32>} : memref<128x128xf32, #tpu.memory_space<vmem>>, vector<1x16xf32>,
        %slice3A_655 = vector.extract_strided_slice %get3A_48 {offsets = [7], sizes = [1], strides = [1]} : vector<16xf32> to vector<1xf32>
        %squeeze3A_656 = vector.extract %slice3A_655[0] : f32 from vector<1xf32>
        %broadcast_in_dim3A_657 = vector.broadcast %squeeze3A_656 : f32 to vector<16xf32>
        %mul3A_658 = arith.constant 16 : i32
        %mul3A_659 = arith.muli %scan3A_43, %mul3A_658 : i32
        %add3A_660 = arith.constant 7 : i32
        %add3A_661 = arith.addi %mul3A_659, %add3A_660 : i32
        %get3A_662 = arith.index_cast %add3A_661 : i32 to index
        %get3A_663 = arith.constant 0 : index
        %get3A_664 = tpu.vector_load %arg10[%get3A_662, %get3A_663] {strides = array<i32>} : memref<128x128xf32, #tpu.memory_space<vmem>>, vector<1x16xf32>,
        %get3A_665 = vector.shape_cast %get3A_664 : vector<1x16xf32> to vector<16xf32>
        %mul3A_666 = arith.mulf %get3A_665, %broadcast_in_dim3A_657 : vector<16xf32>
        %swap3A_667 = arith.index_cast %add3A_661 : i32 to index
        %swap3A_668 = arith.constant 0 : index
        %swap3A_669 = tpu.vector_load %arg10[%swap3A_667, %swap3A_668] {strides = array<i32>} : memref<128x128xf32, #tpu.memory_space<vmem>>, vector<1x16xf32>,
        %swap3A_670 = vector.shape_cast %swap3A_669 : vector<1x16xf32> to vector<16xf32>
        %swap3A_671 = vector.shape_cast %mul3A_666 : vector<16xf32> to vector<1x16xf32>
        tpu.vector_store %arg10[%swap3A_667, %swap3A_668], %swap3A_671 {strides = array<i32>} : memref<128x128xf32, #tpu.memory_space<vmem>>, vector<1x16xf32>,
        %get3A_672 = arith.index_cast %add3A_661 : i32 to index
        %get3A_673 = arith.constant 16 : index
        %get3A_674 = tpu.vector_load %arg10[%get3A_672, %get3A_673] {strides = array<i32>} : memref<128x128xf32, #tpu.memory_space<vmem>>, vector<1x16xf32>,
        %get3A_675 = vector.shape_cast %get3A_674 : vector<1x16xf32> to vector<16xf32>
        %mul3A_676 = arith.mulf %get3A_675, %broadcast_in_dim3A_657 : vector<16xf32>
        %swap3A_677 = arith.index_cast %add3A_661 : i32 to index
        %swap3A_678 = arith.constant 16 : index
        %swap3A_679 = tpu.vector_load %arg10[%swap3A_677, %swap3A_678] {strides = array<i32>} : memref<128x128xf32, #tpu.memory_space<vmem>>, vector<1x16xf32>,
        %swap3A_680 = vector.shape_cast %swap3A_679 : vector<1x16xf32> to vector<16xf32>
        %swap3A_681 = vector.shape_cast %mul3A_676 : vector<16xf32> to vector<1x16xf32>
        tpu.vector_store %arg10[%swap3A_677, %swap3A_678], %swap3A_681 {strides = array<i32>} : memref<128x128xf32, #tpu.memory_space<vmem>>, vector<1x16xf32>,
        %get3A_682 = arith.index_cast %add3A_661 : i32 to index
        %get3A_683 = arith.constant 32 : index
        %get3A_684 = tpu.vector_load %arg10[%get3A_682, %get3A_683] {strides = array<i32>} : memref<128x128xf32, #tpu.memory_space<vmem>>, vector<1x16xf32>,
        %get3A_685 = vector.shape_cast %get3A_684 : vector<1x16xf32> to vector<16xf32>
        %mul3A_686 = arith.mulf %get3A_685, %broadcast_in_dim3A_657 : vector<16xf32>
        %swap3A_687 = arith.index_cast %add3A_661 : i32 to index
        %swap3A_688 = arith.constant 32 : index
        %swap3A_689 = tpu.vector_load %arg10[%swap3A_687, %swap3A_688] {strides = array<i32>} : memref<128x128xf32, #tpu.memory_space<vmem>>, vector<1x16xf32>,
        %swap3A_690 = vector.shape_cast %swap3A_689 : vector<1x16xf32> to vector<16xf32>
        %swap3A_691 = vector.shape_cast %mul3A_686 : vector<16xf32> to vector<1x16xf32>
        tpu.vector_store %arg10[%swap3A_687, %swap3A_688], %swap3A_691 {strides = array<i32>} : memref<128x128xf32, #tpu.memory_space<vmem>>, vector<1x16xf32>,
        %get3A_692 = arith.index_cast %add3A_661 : i32 to index
        %get3A_693 = arith.constant 48 : index
        %get3A_694 = tpu.vector_load %arg10[%get3A_692, %get3A_693] {strides = array<i32>} : memref<128x128xf32, #tpu.memory_space<vmem>>, vector<1x16xf32>,
        %get3A_695 = vector.shape_cast %get3A_694 : vector<1x16xf32> to vector<16xf32>
        %mul3A_696 = arith.mulf %get3A_695, %broadcast_in_dim3A_657 : vector<16xf32>
        %swap3A_697 = arith.index_cast %add3A_661 : i32 to index
        %swap3A_698 = arith.constant 48 : index
        %swap3A_699 = tpu.vector_load %arg10[%swap3A_697, %swap3A_698] {strides = array<i32>} : memref<128x128xf32, #tpu.memory_space<vmem>>, vector<1x16xf32>,
        %swap3A_700 = vector.shape_cast %swap3A_699 : vector<1x16xf32> to vector<16xf32>
        %swap3A_701 = vector.shape_cast %mul3A_696 : vector<16xf32> to vector<1x16xf32>
        tpu.vector_store %arg10[%swap3A_697, %swap3A_698], %swap3A_701 {strides = array<i32>} : memref<128x128xf32, #tpu.memory_space<vmem>>, vector<1x16xf32>,
        %get3A_702 = arith.index_cast %add3A_661 : i32 to index
        %get3A_703 = arith.constant 64 : index
        %get3A_704 = tpu.vector_load %arg10[%get3A_702, %get3A_703] {strides = array<i32>} : memref<128x128xf32, #tpu.memory_space<vmem>>, vector<1x16xf32>,
        %get3A_705 = vector.shape_cast %get3A_704 : vector<1x16xf32> to vector<16xf32>
        %mul3A_706 = arith.mulf %get3A_705, %broadcast_in_dim3A_657 : vector<16xf32>
        %swap3A_707 = arith.index_cast %add3A_661 : i32 to index
        %swap3A_708 = arith.constant 64 : index
        %swap3A_709 = tpu.vector_load %arg10[%swap3A_707, %swap3A_708] {strides = array<i32>} : memref<128x128xf32, #tpu.memory_space<vmem>>, vector<1x16xf32>,
        %swap3A_710 = vector.shape_cast %swap3A_709 : vector<1x16xf32> to vector<16xf32>
        %swap3A_711 = vector.shape_cast %mul3A_706 : vector<16xf32> to vector<1x16xf32>
        tpu.vector_store %arg10[%swap3A_707, %swap3A_708], %swap3A_711 {strides = array<i32>} : memref<128x128xf32, #tpu.memory_space<vmem>>, vector<1x16xf32>,
        %get3A_712 = arith.index_cast %add3A_661 : i32 to index
        %get3A_713 = arith.constant 80 : index
        %get3A_714 = tpu.vector_load %arg10[%get3A_712, %get3A_713] {strides = array<i32>} : memref<128x128xf32, #tpu.memory_space<vmem>>, vector<1x16xf32>,
        %get3A_715 = vector.shape_cast %get3A_714 : vector<1x16xf32> to vector<16xf32>
        %mul3A_716 = arith.mulf %get3A_715, %broadcast_in_dim3A_657 : vector<16xf32>
        %swap3A_717 = arith.index_cast %add3A_661 : i32 to index
        %swap3A_718 = arith.constant 80 : index
        %swap3A_719 = tpu.vector_load %arg10[%swap3A_717, %swap3A_718] {strides = array<i32>} : memref<128x128xf32, #tpu.memory_space<vmem>>, vector<1x16xf32>,
        %swap3A_720 = vector.shape_cast %swap3A_719 : vector<1x16xf32> to vector<16xf32>
        %swap3A_721 = vector.shape_cast %mul3A_716 : vector<16xf32> to vector<1x16xf32>
        tpu.vector_store %arg10[%swap3A_717, %swap3A_718], %swap3A_721 {strides = array<i32>} : memref<128x128xf32, #tpu.memory_space<vmem>>, vector<1x16xf32>,
        %get3A_722 = arith.index_cast %add3A_661 : i32 to index
        %get3A_723 = arith.constant 96 : index
        %get3A_724 = tpu.vector_load %arg10[%get3A_722, %get3A_723] {strides = array<i32>} : memref<128x128xf32, #tpu.memory_space<vmem>>, vector<1x16xf32>,
        %get3A_725 = vector.shape_cast %get3A_724 : vector<1x16xf32> to vector<16xf32>
        %mul3A_726 = arith.mulf %get3A_725, %broadcast_in_dim3A_657 : vector<16xf32>
        %swap3A_727 = arith.index_cast %add3A_661 : i32 to index
        %swap3A_728 = arith.constant 96 : index
        %swap3A_729 = tpu.vector_load %arg10[%swap3A_727, %swap3A_728] {strides = array<i32>} : memref<128x128xf32, #tpu.memory_space<vmem>>, vector<1x16xf32>,
        %swap3A_730 = vector.shape_cast %swap3A_729 : vector<1x16xf32> to vector<16xf32>
        %swap3A_731 = vector.shape_cast %mul3A_726 : vector<16xf32> to vector<1x16xf32>
        tpu.vector_store %arg10[%swap3A_727, %swap3A_728], %swap3A_731 {strides = array<i32>} : memref<128x128xf32, #tpu.memory_space<vmem>>, vector<1x16xf32>,
        %get3A_732 = arith.index_cast %add3A_661 : i32 to index
        %get3A_733 = arith.constant 112 : index
        %get3A_734 = tpu.vector_load %arg10[%get3A_732, %get3A_733] {strides = array<i32>} : memref<128x128xf32, #tpu.memory_space<vmem>>, vector<1x16xf32>,
        %get3A_735 = vector.shape_cast %get3A_734 : vector<1x16xf32> to vector<16xf32>
        %mul3A_736 = arith.mulf %get3A_735, %broadcast_in_dim3A_657 : vector<16xf32>
        %swap3A_737 = arith.index_cast %add3A_661 : i32 to index
        %swap3A_738 = arith.constant 112 : index
        %swap3A_739 = tpu.vector_load %arg10[%swap3A_737, %swap3A_738] {strides = array<i32>} : memref<128x128xf32, #tpu.memory_space<vmem>>, vector<1x16xf32>,
        %swap3A_740 = vector.shape_cast %swap3A_739 : vector<1x16xf32> to vector<16xf32>
        %swap3A_741 = vector.shape_cast %mul3A_736 : vector<16xf32> to vector<1x16xf32>
        tpu.vector_store %arg10[%swap3A_737, %swap3A_738], %swap3A_741 {strides = array<i32>} : memref<128x128xf32, #tpu.memory_space<vmem>>, vector<1x16xf32>,
        %slice3A_742 = vector.extract_strided_slice %get3A_48 {offsets = [8], sizes = [1], strides = [1]} : vector<16xf32> to vector<1xf32>
        %squeeze3A_743 = vector.extract %slice3A_742[0] : f32 from vector<1xf32>
        %broadcast_in_dim3A_744 = vector.broadcast %squeeze3A_743 : f32 to vector<16xf32>
        %mul3A_745 = arith.constant 16 : i32
        %mul3A_746 = arith.muli %scan3A_43, %mul3A_745 : i32
        %add3A_747 = arith.constant 8 : i32
        %add3A_748 = arith.addi %mul3A_746, %add3A_747 : i32
        %get3A_749 = arith.index_cast %add3A_748 : i32 to index
        %get3A_750 = arith.constant 0 : index
        %get3A_751 = tpu.vector_load %arg10[%get3A_749, %get3A_750] {strides = array<i32>} : memref<128x128xf32, #tpu.memory_space<vmem>>, vector<1x16xf32>,
        %get3A_752 = vector.shape_cast %get3A_751 : vector<1x16xf32> to vector<16xf32>
        %mul3A_753 = arith.mulf %get3A_752, %broadcast_in_dim3A_744 : vector<16xf32>
        %swap3A_754 = arith.index_cast %add3A_748 : i32 to index
        %swap3A_755 = arith.constant 0 : index
        %swap3A_756 = tpu.vector_load %arg10[%swap3A_754, %swap3A_755] {strides = array<i32>} : memref<128x128xf32, #tpu.memory_space<vmem>>, vector<1x16xf32>,
        %swap3A_757 = vector.shape_cast %swap3A_756 : vector<1x16xf32> to vector<16xf32>
        %swap3A_758 = vector.shape_cast %mul3A_753 : vector<16xf32> to vector<1x16xf32>
        tpu.vector_store %arg10[%swap3A_754, %swap3A_755], %swap3A_758 {strides = array<i32>} : memref<128x128xf32, #tpu.memory_space<vmem>>, vector<1x16xf32>,
        %get3A_759 = arith.index_cast %add3A_748 : i32 to index
        %get3A_760 = arith.constant 16 : index
        %get3A_761 = tpu.vector_load %arg10[%get3A_759, %get3A_760] {strides = array<i32>} : memref<128x128xf32, #tpu.memory_space<vmem>>, vector<1x16xf32>,
        %get3A_762 = vector.shape_cast %get3A_761 : vector<1x16xf32> to vector<16xf32>
        %mul3A_763 = arith.mulf %get3A_762, %broadcast_in_dim3A_744 : vector<16xf32>
        %swap3A_764 = arith.index_cast %add3A_748 : i32 to index
        %swap3A_765 = arith.constant 16 : index
        %swap3A_766 = tpu.vector_load %arg10[%swap3A_764, %swap3A_765] {strides = array<i32>} : memref<128x128xf32, #tpu.memory_space<vmem>>, vector<1x16xf32>,
        %swap3A_767 = vector.shape_cast %swap3A_766 : vector<1x16xf32> to vector<16xf32>
        %swap3A_768 = vector.shape_cast %mul3A_763 : vector<16xf32> to vector<1x16xf32>
        tpu.vector_store %arg10[%swap3A_764, %swap3A_765], %swap3A_768 {strides = array<i32>} : memref<128x128xf32, #tpu.memory_space<vmem>>, vector<1x16xf32>,
        %get3A_769 = arith.index_cast %add3A_748 : i32 to index
        %get3A_770 = arith.constant 32 : index
        %get3A_771 = tpu.vector_load %arg10[%get3A_769, %get3A_770] {strides = array<i32>} : memref<128x128xf32, #tpu.memory_space<vmem>>, vector<1x16xf32>,
        %get3A_772 = vector.shape_cast %get3A_771 : vector<1x16xf32> to vector<16xf32>
        %mul3A_773 = arith.mulf %get3A_772, %broadcast_in_dim3A_744 : vector<16xf32>
        %swap3A_774 = arith.index_cast %add3A_748 : i32 to index
        %swap3A_775 = arith.constant 32 : index
        %swap3A_776 = tpu.vector_load %arg10[%swap3A_774, %swap3A_775] {strides = array<i32>} : memref<128x128xf32, #tpu.memory_space<vmem>>, vector<1x16xf32>,
        %swap3A_777 = vector.shape_cast %swap3A_776 : vector<1x16xf32> to vector<16xf32>
        %swap3A_778 = vector.shape_cast %mul3A_773 : vector<16xf32> to vector<1x16xf32>
        tpu.vector_store %arg10[%swap3A_774, %swap3A_775], %swap3A_778 {strides = array<i32>} : memref<128x128xf32, #tpu.memory_space<vmem>>, vector<1x16xf32>,
        %get3A_779 = arith.index_cast %add3A_748 : i32 to index
        %get3A_780 = arith.constant 48 : index
        %get3A_781 = tpu.vector_load %arg10[%get3A_779, %get3A_780] {strides = array<i32>} : memref<128x128xf32, #tpu.memory_space<vmem>>, vector<1x16xf32>,
        %get3A_782 = vector.shape_cast %get3A_781 : vector<1x16xf32> to vector<16xf32>
        %mul3A_783 = arith.mulf %get3A_782, %broadcast_in_dim3A_744 : vector<16xf32>
        %swap3A_784 = arith.index_cast %add3A_748 : i32 to index
        %swap3A_785 = arith.constant 48 : index
        %swap3A_786 = tpu.vector_load %arg10[%swap3A_784, %swap3A_785] {strides = array<i32>} : memref<128x128xf32, #tpu.memory_space<vmem>>, vector<1x16xf32>,
        %swap3A_787 = vector.shape_cast %swap3A_786 : vector<1x16xf32> to vector<16xf32>
        %swap3A_788 = vector.shape_cast %mul3A_783 : vector<16xf32> to vector<1x16xf32>
        tpu.vector_store %arg10[%swap3A_784, %swap3A_785], %swap3A_788 {strides = array<i32>} : memref<128x128xf32, #tpu.memory_space<vmem>>, vector<1x16xf32>,
        %get3A_789 = arith.index_cast %add3A_748 : i32 to index
        %get3A_790 = arith.constant 64 : index
        %get3A_791 = tpu.vector_load %arg10[%get3A_789, %get3A_790] {strides = array<i32>} : memref<128x128xf32, #tpu.memory_space<vmem>>, vector<1x16xf32>,
        %get3A_792 = vector.shape_cast %get3A_791 : vector<1x16xf32> to vector<16xf32>
        %mul3A_793 = arith.mulf %get3A_792, %broadcast_in_dim3A_744 : vector<16xf32>
        %swap3A_794 = arith.index_cast %add3A_748 : i32 to index
        %swap3A_795 = arith.constant 64 : index
        %swap3A_796 = tpu.vector_load %arg10[%swap3A_794, %swap3A_795] {strides = array<i32>} : memref<128x128xf32, #tpu.memory_space<vmem>>, vector<1x16xf32>,
        %swap3A_797 = vector.shape_cast %swap3A_796 : vector<1x16xf32> to vector<16xf32>
        %swap3A_798 = vector.shape_cast %mul3A_793 : vector<16xf32> to vector<1x16xf32>
        tpu.vector_store %arg10[%swap3A_794, %swap3A_795], %swap3A_798 {strides = array<i32>} : memref<128x128xf32, #tpu.memory_space<vmem>>, vector<1x16xf32>,
        %get3A_799 = arith.index_cast %add3A_748 : i32 to index
        %get3A_800 = arith.constant 80 : index
        %get3A_801 = tpu.vector_load %arg10[%get3A_799, %get3A_800] {strides = array<i32>} : memref<128x128xf32, #tpu.memory_space<vmem>>, vector<1x16xf32>,
        %get3A_802 = vector.shape_cast %get3A_801 : vector<1x16xf32> to vector<16xf32>
        %mul3A_803 = arith.mulf %get3A_802, %broadcast_in_dim3A_744 : vector<16xf32>
        %swap3A_804 = arith.index_cast %add3A_748 : i32 to index
        %swap3A_805 = arith.constant 80 : index
        %swap3A_806 = tpu.vector_load %arg10[%swap3A_804, %swap3A_805] {strides = array<i32>} : memref<128x128xf32, #tpu.memory_space<vmem>>, vector<1x16xf32>,
        %swap3A_807 = vector.shape_cast %swap3A_806 : vector<1x16xf32> to vector<16xf32>
        %swap3A_808 = vector.shape_cast %mul3A_803 : vector<16xf32> to vector<1x16xf32>
        tpu.vector_store %arg10[%swap3A_804, %swap3A_805], %swap3A_808 {strides = array<i32>} : memref<128x128xf32, #tpu.memory_space<vmem>>, vector<1x16xf32>,
        %get3A_809 = arith.index_cast %add3A_748 : i32 to index
        %get3A_810 = arith.constant 96 : index
        %get3A_811 = tpu.vector_load %arg10[%get3A_809, %get3A_810] {strides = array<i32>} : memref<128x128xf32, #tpu.memory_space<vmem>>, vector<1x16xf32>,
        %get3A_812 = vector.shape_cast %get3A_811 : vector<1x16xf32> to vector<16xf32>
        %mul3A_813 = arith.mulf %get3A_812, %broadcast_in_dim3A_744 : vector<16xf32>
        %swap3A_814 = arith.index_cast %add3A_748 : i32 to index
        %swap3A_815 = arith.constant 96 : index
        %swap3A_816 = tpu.vector_load %arg10[%swap3A_814, %swap3A_815] {strides = array<i32>} : memref<128x128xf32, #tpu.memory_space<vmem>>, vector<1x16xf32>,
        %swap3A_817 = vector.shape_cast %swap3A_816 : vector<1x16xf32> to vector<16xf32>
        %swap3A_818 = vector.shape_cast %mul3A_813 : vector<16xf32> to vector<1x16xf32>
        tpu.vector_store %arg10[%swap3A_814, %swap3A_815], %swap3A_818 {strides = array<i32>} : memref<128x128xf32, #tpu.memory_space<vmem>>, vector<1x16xf32>,
        %get3A_819 = arith.index_cast %add3A_748 : i32 to index
        %get3A_820 = arith.constant 112 : index
        %get3A_821 = tpu.vector_load %arg10[%get3A_819, %get3A_820] {strides = array<i32>} : memref<128x128xf32, #tpu.memory_space<vmem>>, vector<1x16xf32>,
        %get3A_822 = vector.shape_cast %get3A_821 : vector<1x16xf32> to vector<16xf32>
        %mul3A_823 = arith.mulf %get3A_822, %broadcast_in_dim3A_744 : vector<16xf32>
        %swap3A_824 = arith.index_cast %add3A_748 : i32 to index
        %swap3A_825 = arith.constant 112 : index
        %swap3A_826 = tpu.vector_load %arg10[%swap3A_824, %swap3A_825] {strides = array<i32>} : memref<128x128xf32, #tpu.memory_space<vmem>>, vector<1x16xf32>,
        %swap3A_827 = vector.shape_cast %swap3A_826 : vector<1x16xf32> to vector<16xf32>
        %swap3A_828 = vector.shape_cast %mul3A_823 : vector<16xf32> to vector<1x16xf32>
        tpu.vector_store %arg10[%swap3A_824, %swap3A_825], %swap3A_828 {strides = array<i32>} : memref<128x128xf32, #tpu.memory_space<vmem>>, vector<1x16xf32>,
        %slice3A_829 = vector.extract_strided_slice %get3A_48 {offsets = [9], sizes = [1], strides = [1]} : vector<16xf32> to vector<1xf32>
        %squeeze3A_830 = vector.extract %slice3A_829[0] : f32 from vector<1xf32>
        %broadcast_in_dim3A_831 = vector.broadcast %squeeze3A_830 : f32 to vector<16xf32>
        %mul3A_832 = arith.constant 16 : i32
        %mul3A_833 = arith.muli %scan3A_43, %mul3A_832 : i32
        %add3A_834 = arith.constant 9 : i32
        %add3A_835 = arith.addi %mul3A_833, %add3A_834 : i32
        %get3A_836 = arith.index_cast %add3A_835 : i32 to index
        %get3A_837 = arith.constant 0 : index
        %get3A_838 = tpu.vector_load %arg10[%get3A_836, %get3A_837] {strides = array<i32>} : memref<128x128xf32, #tpu.memory_space<vmem>>, vector<1x16xf32>,
        %get3A_839 = vector.shape_cast %get3A_838 : vector<1x16xf32> to vector<16xf32>
        %mul3A_840 = arith.mulf %get3A_839, %broadcast_in_dim3A_831 : vector<16xf32>
        %swap3A_841 = arith.index_cast %add3A_835 : i32 to index
        %swap3A_842 = arith.constant 0 : index
        %swap3A_843 = tpu.vector_load %arg10[%swap3A_841, %swap3A_842] {strides = array<i32>} : memref<128x128xf32, #tpu.memory_space<vmem>>, vector<1x16xf32>,
        %swap3A_844 = vector.shape_cast %swap3A_843 : vector<1x16xf32> to vector<16xf32>
        %swap3A_845 = vector.shape_cast %mul3A_840 : vector<16xf32> to vector<1x16xf32>
        tpu.vector_store %arg10[%swap3A_841, %swap3A_842], %swap3A_845 {strides = array<i32>} : memref<128x128xf32, #tpu.memory_space<vmem>>, vector<1x16xf32>,
        %get3A_846 = arith.index_cast %add3A_835 : i32 to index
        %get3A_847 = arith.constant 16 : index
        %get3A_848 = tpu.vector_load %arg10[%get3A_846, %get3A_847] {strides = array<i32>} : memref<128x128xf32, #tpu.memory_space<vmem>>, vector<1x16xf32>,
        %get3A_849 = vector.shape_cast %get3A_848 : vector<1x16xf32> to vector<16xf32>
        %mul3A_850 = arith.mulf %get3A_849, %broadcast_in_dim3A_831 : vector<16xf32>
        %swap3A_851 = arith.index_cast %add3A_835 : i32 to index
        %swap3A_852 = arith.constant 16 : index
        %swap3A_853 = tpu.vector_load %arg10[%swap3A_851, %swap3A_852] {strides = array<i32>} : memref<128x128xf32, #tpu.memory_space<vmem>>, vector<1x16xf32>,
        %swap3A_854 = vector.shape_cast %swap3A_853 : vector<1x16xf32> to vector<16xf32>
        %swap3A_855 = vector.shape_cast %mul3A_850 : vector<16xf32> to vector<1x16xf32>
        tpu.vector_store %arg10[%swap3A_851, %swap3A_852], %swap3A_855 {strides = array<i32>} : memref<128x128xf32, #tpu.memory_space<vmem>>, vector<1x16xf32>,
        %get3A_856 = arith.index_cast %add3A_835 : i32 to index
        %get3A_857 = arith.constant 32 : index
        %get3A_858 = tpu.vector_load %arg10[%get3A_856, %get3A_857] {strides = array<i32>} : memref<128x128xf32, #tpu.memory_space<vmem>>, vector<1x16xf32>,
        %get3A_859 = vector.shape_cast %get3A_858 : vector<1x16xf32> to vector<16xf32>
        %mul3A_860 = arith.mulf %get3A_859, %broadcast_in_dim3A_831 : vector<16xf32>
        %swap3A_861 = arith.index_cast %add3A_835 : i32 to index
        %swap3A_862 = arith.constant 32 : index
        %swap3A_863 = tpu.vector_load %arg10[%swap3A_861, %swap3A_862] {strides = array<i32>} : memref<128x128xf32, #tpu.memory_space<vmem>>, vector<1x16xf32>,
        %swap3A_864 = vector.shape_cast %swap3A_863 : vector<1x16xf32> to vector<16xf32>
        %swap3A_865 = vector.shape_cast %mul3A_860 : vector<16xf32> to vector<1x16xf32>
        tpu.vector_store %arg10[%swap3A_861, %swap3A_862], %swap3A_865 {strides = array<i32>} : memref<128x128xf32, #tpu.memory_space<vmem>>, vector<1x16xf32>,
        %get3A_866 = arith.index_cast %add3A_835 : i32 to index
        %get3A_867 = arith.constant 48 : index
        %get3A_868 = tpu.vector_load %arg10[%get3A_866, %get3A_867] {strides = array<i32>} : memref<128x128xf32, #tpu.memory_space<vmem>>, vector<1x16xf32>,
        %get3A_869 = vector.shape_cast %get3A_868 : vector<1x16xf32> to vector<16xf32>
        %mul3A_870 = arith.mulf %get3A_869, %broadcast_in_dim3A_831 : vector<16xf32>
        %swap3A_871 = arith.index_cast %add3A_835 : i32 to index
        %swap3A_872 = arith.constant 48 : index
        %swap3A_873 = tpu.vector_load %arg10[%swap3A_871, %swap3A_872] {strides = array<i32>} : memref<128x128xf32, #tpu.memory_space<vmem>>, vector<1x16xf32>,
        %swap3A_874 = vector.shape_cast %swap3A_873 : vector<1x16xf32> to vector<16xf32>
        %swap3A_875 = vector.shape_cast %mul3A_870 : vector<16xf32> to vector<1x16xf32>
        tpu.vector_store %arg10[%swap3A_871, %swap3A_872], %swap3A_875 {strides = array<i32>} : memref<128x128xf32, #tpu.memory_space<vmem>>, vector<1x16xf32>,
        %get3A_876 = arith.index_cast %add3A_835 : i32 to index
        %get3A_877 = arith.constant 64 : index
        %get3A_878 = tpu.vector_load %arg10[%get3A_876, %get3A_877] {strides = array<i32>} : memref<128x128xf32, #tpu.memory_space<vmem>>, vector<1x16xf32>,
        %get3A_879 = vector.shape_cast %get3A_878 : vector<1x16xf32> to vector<16xf32>
        %mul3A_880 = arith.mulf %get3A_879, %broadcast_in_dim3A_831 : vector<16xf32>
        %swap3A_881 = arith.index_cast %add3A_835 : i32 to index
        %swap3A_882 = arith.constant 64 : index
        %swap3A_883 = tpu.vector_load %arg10[%swap3A_881, %swap3A_882] {strides = array<i32>} : memref<128x128xf32, #tpu.memory_space<vmem>>, vector<1x16xf32>,
        %swap3A_884 = vector.shape_cast %swap3A_883 : vector<1x16xf32> to vector<16xf32>
        %swap3A_885 = vector.shape_cast %mul3A_880 : vector<16xf32> to vector<1x16xf32>
        tpu.vector_store %arg10[%swap3A_881, %swap3A_882], %swap3A_885 {strides = array<i32>} : memref<128x128xf32, #tpu.memory_space<vmem>>, vector<1x16xf32>,
        %get3A_886 = arith.index_cast %add3A_835 : i32 to index
        %get3A_887 = arith.constant 80 : index
        %get3A_888 = tpu.vector_load %arg10[%get3A_886, %get3A_887] {strides = array<i32>} : memref<128x128xf32, #tpu.memory_space<vmem>>, vector<1x16xf32>,
        %get3A_889 = vector.shape_cast %get3A_888 : vector<1x16xf32> to vector<16xf32>
        %mul3A_890 = arith.mulf %get3A_889, %broadcast_in_dim3A_831 : vector<16xf32>
        %swap3A_891 = arith.index_cast %add3A_835 : i32 to index
        %swap3A_892 = arith.constant 80 : index
        %swap3A_893 = tpu.vector_load %arg10[%swap3A_891, %swap3A_892] {strides = array<i32>} : memref<128x128xf32, #tpu.memory_space<vmem>>, vector<1x16xf32>,
        %swap3A_894 = vector.shape_cast %swap3A_893 : vector<1x16xf32> to vector<16xf32>
        %swap3A_895 = vector.shape_cast %mul3A_890 : vector<16xf32> to vector<1x16xf32>
        tpu.vector_store %arg10[%swap3A_891, %swap3A_892], %swap3A_895 {strides = array<i32>} : memref<128x128xf32, #tpu.memory_space<vmem>>, vector<1x16xf32>,
        %get3A_896 = arith.index_cast %add3A_835 : i32 to index
        %get3A_897 = arith.constant 96 : index
        %get3A_898 = tpu.vector_load %arg10[%get3A_896, %get3A_897] {strides = array<i32>} : memref<128x128xf32, #tpu.memory_space<vmem>>, vector<1x16xf32>,
        %get3A_899 = vector.shape_cast %get3A_898 : vector<1x16xf32> to vector<16xf32>
        %mul3A_900 = arith.mulf %get3A_899, %broadcast_in_dim3A_831 : vector<16xf32>
        %swap3A_901 = arith.index_cast %add3A_835 : i32 to index
        %swap3A_902 = arith.constant 96 : index
        %swap3A_903 = tpu.vector_load %arg10[%swap3A_901, %swap3A_902] {strides = array<i32>} : memref<128x128xf32, #tpu.memory_space<vmem>>, vector<1x16xf32>,
        %swap3A_904 = vector.shape_cast %swap3A_903 : vector<1x16xf32> to vector<16xf32>
        %swap3A_905 = vector.shape_cast %mul3A_900 : vector<16xf32> to vector<1x16xf32>
        tpu.vector_store %arg10[%swap3A_901, %swap3A_902], %swap3A_905 {strides = array<i32>} : memref<128x128xf32, #tpu.memory_space<vmem>>, vector<1x16xf32>,
        %get3A_906 = arith.index_cast %add3A_835 : i32 to index
        %get3A_907 = arith.constant 112 : index
        %get3A_908 = tpu.vector_load %arg10[%get3A_906, %get3A_907] {strides = array<i32>} : memref<128x128xf32, #tpu.memory_space<vmem>>, vector<1x16xf32>,
        %get3A_909 = vector.shape_cast %get3A_908 : vector<1x16xf32> to vector<16xf32>
        %mul3A_910 = arith.mulf %get3A_909, %broadcast_in_dim3A_831 : vector<16xf32>
        %swap3A_911 = arith.index_cast %add3A_835 : i32 to index
        %swap3A_912 = arith.constant 112 : index
        %swap3A_913 = tpu.vector_load %arg10[%swap3A_911, %swap3A_912] {strides = array<i32>} : memref<128x128xf32, #tpu.memory_space<vmem>>, vector<1x16xf32>,
        %swap3A_914 = vector.shape_cast %swap3A_913 : vector<1x16xf32> to vector<16xf32>
        %swap3A_915 = vector.shape_cast %mul3A_910 : vector<16xf32> to vector<1x16xf32>
        tpu.vector_store %arg10[%swap3A_911, %swap3A_912], %swap3A_915 {strides = array<i32>} : memref<128x128xf32, #tpu.memory_space<vmem>>, vector<1x16xf32>,
        %slice3A_916 = vector.extract_strided_slice %get3A_48 {offsets = [10], sizes = [1], strides = [1]} : vector<16xf32> to vector<1xf32>
        %squeeze3A_917 = vector.extract %slice3A_916[0] : f32 from vector<1xf32>
        %broadcast_in_dim3A_918 = vector.broadcast %squeeze3A_917 : f32 to vector<16xf32>
        %mul3A_919 = arith.constant 16 : i32
        %mul3A_920 = arith.muli %scan3A_43, %mul3A_919 : i32
        %add3A_921 = arith.constant 10 : i32
        %add3A_922 = arith.addi %mul3A_920, %add3A_921 : i32
        %get3A_923 = arith.index_cast %add3A_922 : i32 to index
        %get3A_924 = arith.constant 0 : index
        %get3A_925 = tpu.vector_load %arg10[%get3A_923, %get3A_924] {strides = array<i32>} : memref<128x128xf32, #tpu.memory_space<vmem>>, vector<1x16xf32>,
        %get3A_926 = vector.shape_cast %get3A_925 : vector<1x16xf32> to vector<16xf32>
        %mul3A_927 = arith.mulf %get3A_926, %broadcast_in_dim3A_918 : vector<16xf32>
        %swap3A_928 = arith.index_cast %add3A_922 : i32 to index
        %swap3A_929 = arith.constant 0 : index
        %swap3A_930 = tpu.vector_load %arg10[%swap3A_928, %swap3A_929] {strides = array<i32>} : memref<128x128xf32, #tpu.memory_space<vmem>>, vector<1x16xf32>,
        %swap3A_931 = vector.shape_cast %swap3A_930 : vector<1x16xf32> to vector<16xf32>
        %swap3A_932 = vector.shape_cast %mul3A_927 : vector<16xf32> to vector<1x16xf32>
        tpu.vector_store %arg10[%swap3A_928, %swap3A_929], %swap3A_932 {strides = array<i32>} : memref<128x128xf32, #tpu.memory_space<vmem>>, vector<1x16xf32>,
        %get3A_933 = arith.index_cast %add3A_922 : i32 to index
        %get3A_934 = arith.constant 16 : index
        %get3A_935 = tpu.vector_load %arg10[%get3A_933, %get3A_934] {strides = array<i32>} : memref<128x128xf32, #tpu.memory_space<vmem>>, vector<1x16xf32>,
        %get3A_936 = vector.shape_cast %get3A_935 : vector<1x16xf32> to vector<16xf32>
        %mul3A_937 = arith.mulf %get3A_936, %broadcast_in_dim3A_918 : vector<16xf32>
        %swap3A_938 = arith.index_cast %add3A_922 : i32 to index
        %swap3A_939 = arith.constant 16 : index
        %swap3A_940 = tpu.vector_load %arg10[%swap3A_938, %swap3A_939] {strides = array<i32>} : memref<128x128xf32, #tpu.memory_space<vmem>>, vector<1x16xf32>,
        %swap3A_941 = vector.shape_cast %swap3A_940 : vector<1x16xf32> to vector<16xf32>
        %swap3A_942 = vector.shape_cast %mul3A_937 : vector<16xf32> to vector<1x16xf32>
        tpu.vector_store %arg10[%swap3A_938, %swap3A_939], %swap3A_942 {strides = array<i32>} : memref<128x128xf32, #tpu.memory_space<vmem>>, vector<1x16xf32>,
        %get3A_943 = arith.index_cast %add3A_922 : i32 to index
        %get3A_944 = arith.constant 32 : index
        %get3A_945 = tpu.vector_load %arg10[%get3A_943, %get3A_944] {strides = array<i32>} : memref<128x128xf32, #tpu.memory_space<vmem>>, vector<1x16xf32>,
        %get3A_946 = vector.shape_cast %get3A_945 : vector<1x16xf32> to vector<16xf32>
        %mul3A_947 = arith.mulf %get3A_946, %broadcast_in_dim3A_918 : vector<16xf32>
        %swap3A_948 = arith.index_cast %add3A_922 : i32 to index
        %swap3A_949 = arith.constant 32 : index
        %swap3A_950 = tpu.vector_load %arg10[%swap3A_948, %swap3A_949] {strides = array<i32>} : memref<128x128xf32, #tpu.memory_space<vmem>>, vector<1x16xf32>,
        %swap3A_951 = vector.shape_cast %swap3A_950 : vector<1x16xf32> to vector<16xf32>
        %swap3A_952 = vector.shape_cast %mul3A_947 : vector<16xf32> to vector<1x16xf32>
        tpu.vector_store %arg10[%swap3A_948, %swap3A_949], %swap3A_952 {strides = array<i32>} : memref<128x128xf32, #tpu.memory_space<vmem>>, vector<1x16xf32>,
        %get3A_953 = arith.index_cast %add3A_922 : i32 to index
        %get3A_954 = arith.constant 48 : index
        %get3A_955 = tpu.vector_load %arg10[%get3A_953, %get3A_954] {strides = array<i32>} : memref<128x128xf32, #tpu.memory_space<vmem>>, vector<1x16xf32>,
        %get3A_956 = vector.shape_cast %get3A_955 : vector<1x16xf32> to vector<16xf32>
        %mul3A_957 = arith.mulf %get3A_956, %broadcast_in_dim3A_918 : vector<16xf32>
        %swap3A_958 = arith.index_cast %add3A_922 : i32 to index
        %swap3A_959 = arith.constant 48 : index
        %swap3A_960 = tpu.vector_load %arg10[%swap3A_958, %swap3A_959] {strides = array<i32>} : memref<128x128xf32, #tpu.memory_space<vmem>>, vector<1x16xf32>,
        %swap3A_961 = vector.shape_cast %swap3A_960 : vector<1x16xf32> to vector<16xf32>
        %swap3A_962 = vector.shape_cast %mul3A_957 : vector<16xf32> to vector<1x16xf32>
        tpu.vector_store %arg10[%swap3A_958, %swap3A_959], %swap3A_962 {strides = array<i32>} : memref<128x128xf32, #tpu.memory_space<vmem>>, vector<1x16xf32>,
        %get3A_963 = arith.index_cast %add3A_922 : i32 to index
        %get3A_964 = arith.constant 64 : index
        %get3A_965 = tpu.vector_load %arg10[%get3A_963, %get3A_964] {strides = array<i32>} : memref<128x128xf32, #tpu.memory_space<vmem>>, vector<1x16xf32>,
        %get3A_966 = vector.shape_cast %get3A_965 : vector<1x16xf32> to vector<16xf32>
        %mul3A_967 = arith.mulf %get3A_966, %broadcast_in_dim3A_918 : vector<16xf32>
        %swap3A_968 = arith.index_cast %add3A_922 : i32 to index
        %swap3A_969 = arith.constant 64 : index
        %swap3A_970 = tpu.vector_load %arg10[%swap3A_968, %swap3A_969] {strides = array<i32>} : memref<128x128xf32, #tpu.memory_space<vmem>>, vector<1x16xf32>,
        %swap3A_971 = vector.shape_cast %swap3A_970 : vector<1x16xf32> to vector<16xf32>
        %swap3A_972 = vector.shape_cast %mul3A_967 : vector<16xf32> to vector<1x16xf32>
        tpu.vector_store %arg10[%swap3A_968, %swap3A_969], %swap3A_972 {strides = array<i32>} : memref<128x128xf32, #tpu.memory_space<vmem>>, vector<1x16xf32>,
        %get3A_973 = arith.index_cast %add3A_922 : i32 to index
        %get3A_974 = arith.constant 80 : index
        %get3A_975 = tpu.vector_load %arg10[%get3A_973, %get3A_974] {strides = array<i32>} : memref<128x128xf32, #tpu.memory_space<vmem>>, vector<1x16xf32>,
        %get3A_976 = vector.shape_cast %get3A_975 : vector<1x16xf32> to vector<16xf32>
        %mul3A_977 = arith.mulf %get3A_976, %broadcast_in_dim3A_918 : vector<16xf32>
        %swap3A_978 = arith.index_cast %add3A_922 : i32 to index
        %swap3A_979 = arith.constant 80 : index
        %swap3A_980 = tpu.vector_load %arg10[%swap3A_978, %swap3A_979] {strides = array<i32>} : memref<128x128xf32, #tpu.memory_space<vmem>>, vector<1x16xf32>,
        %swap3A_981 = vector.shape_cast %swap3A_980 : vector<1x16xf32> to vector<16xf32>
        %swap3A_982 = vector.shape_cast %mul3A_977 : vector<16xf32> to vector<1x16xf32>
        tpu.vector_store %arg10[%swap3A_978, %swap3A_979], %swap3A_982 {strides = array<i32>} : memref<128x128xf32, #tpu.memory_space<vmem>>, vector<1x16xf32>,
        %get3A_983 = arith.index_cast %add3A_922 : i32 to index
        %get3A_984 = arith.constant 96 : index
        %get3A_985 = tpu.vector_load %arg10[%get3A_983, %get3A_984] {strides = array<i32>} : memref<128x128xf32, #tpu.memory_space<vmem>>, vector<1x16xf32>,
        %get3A_986 = vector.shape_cast %get3A_985 : vector<1x16xf32> to vector<16xf32>
        %mul3A_987 = arith.mulf %get3A_986, %broadcast_in_dim3A_918 : vector<16xf32>
        %swap3A_988 = arith.index_cast %add3A_922 : i32 to index
        %swap3A_989 = arith.constant 96 : index
        %swap3A_990 = tpu.vector_load %arg10[%swap3A_988, %swap3A_989] {strides = array<i32>} : memref<128x128xf32, #tpu.memory_space<vmem>>, vector<1x16xf32>,
        %swap3A_991 = vector.shape_cast %swap3A_990 : vector<1x16xf32> to vector<16xf32>
        %swap3A_992 = vector.shape_cast %mul3A_987 : vector<16xf32> to vector<1x16xf32>
        tpu.vector_store %arg10[%swap3A_988, %swap3A_989], %swap3A_992 {strides = array<i32>} : memref<128x128xf32, #tpu.memory_space<vmem>>, vector<1x16xf32>,
        %get3A_993 = arith.index_cast %add3A_922 : i32 to index
        %get3A_994 = arith.constant 112 : index
        %get3A_995 = tpu.vector_load %arg10[%get3A_993, %get3A_994] {strides = array<i32>} : memref<128x128xf32, #tpu.memory_space<vmem>>, vector<1x16xf32>,
        %get3A_996 = vector.shape_cast %get3A_995 : vector<1x16xf32> to vector<16xf32>
        %mul3A_997 = arith.mulf %get3A_996, %broadcast_in_dim3A_918 : vector<16xf32>
        %swap3A_998 = arith.index_cast %add3A_922 : i32 to index
        %swap3A_999 = arith.constant 112 : index
        %swap3A_1000 = tpu.vector_load %arg10[%swap3A_998, %swap3A_999] {strides = array<i32>} : memref<128x128xf32, #tpu.memory_space<vmem>>, vector<1x16xf32>,
        %swap3A_1001 = vector.shape_cast %swap3A_1000 : vector<1x16xf32> to vector<16xf32>
        %swap3A_1002 = vector.shape_cast %mul3A_997 : vector<16xf32> to vector<1x16xf32>
        tpu.vector_store %arg10[%swap3A_998, %swap3A_999], %swap3A_1002 {strides = array<i32>} : memref<128x128xf32, #tpu.memory_space<vmem>>, vector<1x16xf32>,
        %slice3A_1003 = vector.extract_strided_slice %get3A_48 {offsets = [11], sizes = [1], strides = [1]} : vector<16xf32> to vector<1xf32>
        %squeeze3A_1004 = vector.extract %slice3A_1003[0] : f32 from vector<1xf32>
        %broadcast_in_dim3A_1005 = vector.broadcast %squeeze3A_1004 : f32 to vector<16xf32>
        %mul3A_1006 = arith.constant 16 : i32
        %mul3A_1007 = arith.muli %scan3A_43, %mul3A_1006 : i32
        %add3A_1008 = arith.constant 11 : i32
        %add3A_1009 = arith.addi %mul3A_1007, %add3A_1008 : i32
        %get3A_1010 = arith.index_cast %add3A_1009 : i32 to index
        %get3A_1011 = arith.constant 0 : index
        %get3A_1012 = tpu.vector_load %arg10[%get3A_1010, %get3A_1011] {strides = array<i32>} : memref<128x128xf32, #tpu.memory_space<vmem>>, vector<1x16xf32>,
        %get3A_1013 = vector.shape_cast %get3A_1012 : vector<1x16xf32> to vector<16xf32>
        %mul3A_1014 = arith.mulf %get3A_1013, %broadcast_in_dim3A_1005 : vector<16xf32>
        %swap3A_1015 = arith.index_cast %add3A_1009 : i32 to index
        %swap3A_1016 = arith.constant 0 : index
        %swap3A_1017 = tpu.vector_load %arg10[%swap3A_1015, %swap3A_1016] {strides = array<i32>} : memref<128x128xf32, #tpu.memory_space<vmem>>, vector<1x16xf32>,
        %swap3A_1018 = vector.shape_cast %swap3A_1017 : vector<1x16xf32> to vector<16xf32>
        %swap3A_1019 = vector.shape_cast %mul3A_1014 : vector<16xf32> to vector<1x16xf32>
        tpu.vector_store %arg10[%swap3A_1015, %swap3A_1016], %swap3A_1019 {strides = array<i32>} : memref<128x128xf32, #tpu.memory_space<vmem>>, vector<1x16xf32>,
        %get3A_1020 = arith.index_cast %add3A_1009 : i32 to index
        %get3A_1021 = arith.constant 16 : index
        %get3A_1022 = tpu.vector_load %arg10[%get3A_1020, %get3A_1021] {strides = array<i32>} : memref<128x128xf32, #tpu.memory_space<vmem>>, vector<1x16xf32>,
        %get3A_1023 = vector.shape_cast %get3A_1022 : vector<1x16xf32> to vector<16xf32>
        %mul3A_1024 = arith.mulf %get3A_1023, %broadcast_in_dim3A_1005 : vector<16xf32>
        %swap3A_1025 = arith.index_cast %add3A_1009 : i32 to index
        %swap3A_1026 = arith.constant 16 : index
        %swap3A_1027 = tpu.vector_load %arg10[%swap3A_1025, %swap3A_1026] {strides = array<i32>} : memref<128x128xf32, #tpu.memory_space<vmem>>, vector<1x16xf32>,
        %swap3A_1028 = vector.shape_cast %swap3A_1027 : vector<1x16xf32> to vector<16xf32>
        %swap3A_1029 = vector.shape_cast %mul3A_1024 : vector<16xf32> to vector<1x16xf32>
        tpu.vector_store %arg10[%swap3A_1025, %swap3A_1026], %swap3A_1029 {strides = array<i32>} : memref<128x128xf32, #tpu.memory_space<vmem>>, vector<1x16xf32>,
        %get3A_1030 = arith.index_cast %add3A_1009 : i32 to index
        %get3A_1031 = arith.constant 32 : index
        %get3A_1032 = tpu.vector_load %arg10[%get3A_1030, %get3A_1031] {strides = array<i32>} : memref<128x128xf32, #tpu.memory_space<vmem>>, vector<1x16xf32>,
        %get3A_1033 = vector.shape_cast %get3A_1032 : vector<1x16xf32> to vector<16xf32>
        %mul3A_1034 = arith.mulf %get3A_1033, %broadcast_in_dim3A_1005 : vector<16xf32>
        %swap3A_1035 = arith.index_cast %add3A_1009 : i32 to index
        %swap3A_1036 = arith.constant 32 : index
        %swap3A_1037 = tpu.vector_load %arg10[%swap3A_1035, %swap3A_1036] {strides = array<i32>} : memref<128x128xf32, #tpu.memory_space<vmem>>, vector<1x16xf32>,
        %swap3A_1038 = vector.shape_cast %swap3A_1037 : vector<1x16xf32> to vector<16xf32>
        %swap3A_1039 = vector.shape_cast %mul3A_1034 : vector<16xf32> to vector<1x16xf32>
        tpu.vector_store %arg10[%swap3A_1035, %swap3A_1036], %swap3A_1039 {strides = array<i32>} : memref<128x128xf32, #tpu.memory_space<vmem>>, vector<1x16xf32>,
        %get3A_1040 = arith.index_cast %add3A_1009 : i32 to index
        %get3A_1041 = arith.constant 48 : index
        %get3A_1042 = tpu.vector_load %arg10[%get3A_1040, %get3A_1041] {strides = array<i32>} : memref<128x128xf32, #tpu.memory_space<vmem>>, vector<1x16xf32>,
        %get3A_1043 = vector.shape_cast %get3A_1042 : vector<1x16xf32> to vector<16xf32>
        %mul3A_1044 = arith.mulf %get3A_1043, %broadcast_in_dim3A_1005 : vector<16xf32>
        %swap3A_1045 = arith.index_cast %add3A_1009 : i32 to index
        %swap3A_1046 = arith.constant 48 : index
        %swap3A_1047 = tpu.vector_load %arg10[%swap3A_1045, %swap3A_1046] {strides = array<i32>} : memref<128x128xf32, #tpu.memory_space<vmem>>, vector<1x16xf32>,
        %swap3A_1048 = vector.shape_cast %swap3A_1047 : vector<1x16xf32> to vector<16xf32>
        %swap3A_1049 = vector.shape_cast %mul3A_1044 : vector<16xf32> to vector<1x16xf32>
        tpu.vector_store %arg10[%swap3A_1045, %swap3A_1046], %swap3A_1049 {strides = array<i32>} : memref<128x128xf32, #tpu.memory_space<vmem>>, vector<1x16xf32>,
        %get3A_1050 = arith.index_cast %add3A_1009 : i32 to index
        %get3A_1051 = arith.constant 64 : index
        %get3A_1052 = tpu.vector_load %arg10[%get3A_1050, %get3A_1051] {strides = array<i32>} : memref<128x128xf32, #tpu.memory_space<vmem>>, vector<1x16xf32>,
        %get3A_1053 = vector.shape_cast %get3A_1052 : vector<1x16xf32> to vector<16xf32>
        %mul3A_1054 = arith.mulf %get3A_1053, %broadcast_in_dim3A_1005 : vector<16xf32>
        %swap3A_1055 = arith.index_cast %add3A_1009 : i32 to index
        %swap3A_1056 = arith.constant 64 : index
        %swap3A_1057 = tpu.vector_load %arg10[%swap3A_1055, %swap3A_1056] {strides = array<i32>} : memref<128x128xf32, #tpu.memory_space<vmem>>, vector<1x16xf32>,
        %swap3A_1058 = vector.shape_cast %swap3A_1057 : vector<1x16xf32> to vector<16xf32>
        %swap3A_1059 = vector.shape_cast %mul3A_1054 : vector<16xf32> to vector<1x16xf32>
        tpu.vector_store %arg10[%swap3A_1055, %swap3A_1056], %swap3A_1059 {strides = array<i32>} : memref<128x128xf32, #tpu.memory_space<vmem>>, vector<1x16xf32>,
        %get3A_1060 = arith.index_cast %add3A_1009 : i32 to index
        %get3A_1061 = arith.constant 80 : index
        %get3A_1062 = tpu.vector_load %arg10[%get3A_1060, %get3A_1061] {strides = array<i32>} : memref<128x128xf32, #tpu.memory_space<vmem>>, vector<1x16xf32>,
        %get3A_1063 = vector.shape_cast %get3A_1062 : vector<1x16xf32> to vector<16xf32>
        %mul3A_1064 = arith.mulf %get3A_1063, %broadcast_in_dim3A_1005 : vector<16xf32>
        %swap3A_1065 = arith.index_cast %add3A_1009 : i32 to index
        %swap3A_1066 = arith.constant 80 : index
        %swap3A_1067 = tpu.vector_load %arg10[%swap3A_1065, %swap3A_1066] {strides = array<i32>} : memref<128x128xf32, #tpu.memory_space<vmem>>, vector<1x16xf32>,
        %swap3A_1068 = vector.shape_cast %swap3A_1067 : vector<1x16xf32> to vector<16xf32>
        %swap3A_1069 = vector.shape_cast %mul3A_1064 : vector<16xf32> to vector<1x16xf32>
        tpu.vector_store %arg10[%swap3A_1065, %swap3A_1066], %swap3A_1069 {strides = array<i32>} : memref<128x128xf32, #tpu.memory_space<vmem>>, vector<1x16xf32>,
        %get3A_1070 = arith.index_cast %add3A_1009 : i32 to index
        %get3A_1071 = arith.constant 96 : index
        %get3A_1072 = tpu.vector_load %arg10[%get3A_1070, %get3A_1071] {strides = array<i32>} : memref<128x128xf32, #tpu.memory_space<vmem>>, vector<1x16xf32>,
        %get3A_1073 = vector.shape_cast %get3A_1072 : vector<1x16xf32> to vector<16xf32>
        %mul3A_1074 = arith.mulf %get3A_1073, %broadcast_in_dim3A_1005 : vector<16xf32>
        %swap3A_1075 = arith.index_cast %add3A_1009 : i32 to index
        %swap3A_1076 = arith.constant 96 : index
        %swap3A_1077 = tpu.vector_load %arg10[%swap3A_1075, %swap3A_1076] {strides = array<i32>} : memref<128x128xf32, #tpu.memory_space<vmem>>, vector<1x16xf32>,
        %swap3A_1078 = vector.shape_cast %swap3A_1077 : vector<1x16xf32> to vector<16xf32>
        %swap3A_1079 = vector.shape_cast %mul3A_1074 : vector<16xf32> to vector<1x16xf32>
        tpu.vector_store %arg10[%swap3A_1075, %swap3A_1076], %swap3A_1079 {strides = array<i32>} : memref<128x128xf32, #tpu.memory_space<vmem>>, vector<1x16xf32>,
        %get3A_1080 = arith.index_cast %add3A_1009 : i32 to index
        %get3A_1081 = arith.constant 112 : index
        %get3A_1082 = tpu.vector_load %arg10[%get3A_1080, %get3A_1081] {strides = array<i32>} : memref<128x128xf32, #tpu.memory_space<vmem>>, vector<1x16xf32>,
        %get3A_1083 = vector.shape_cast %get3A_1082 : vector<1x16xf32> to vector<16xf32>
        %mul3A_1084 = arith.mulf %get3A_1083, %broadcast_in_dim3A_1005 : vector<16xf32>
        %swap3A_1085 = arith.index_cast %add3A_1009 : i32 to index
        %swap3A_1086 = arith.constant 112 : index
        %swap3A_1087 = tpu.vector_load %arg10[%swap3A_1085, %swap3A_1086] {strides = array<i32>} : memref<128x128xf32, #tpu.memory_space<vmem>>, vector<1x16xf32>,
        %swap3A_1088 = vector.shape_cast %swap3A_1087 : vector<1x16xf32> to vector<16xf32>
        %swap3A_1089 = vector.shape_cast %mul3A_1084 : vector<16xf32> to vector<1x16xf32>
        tpu.vector_store %arg10[%swap3A_1085, %swap3A_1086], %swap3A_1089 {strides = array<i32>} : memref<128x128xf32, #tpu.memory_space<vmem>>, vector<1x16xf32>,
        %slice3A_1090 = vector.extract_strided_slice %get3A_48 {offsets = [12], sizes = [1], strides = [1]} : vector<16xf32> to vector<1xf32>
        %squeeze3A_1091 = vector.extract %slice3A_1090[0] : f32 from vector<1xf32>
        %broadcast_in_dim3A_1092 = vector.broadcast %squeeze3A_1091 : f32 to vector<16xf32>
        %mul3A_1093 = arith.constant 16 : i32
        %mul3A_1094 = arith.muli %scan3A_43, %mul3A_1093 : i32
        %add3A_1095 = arith.constant 12 : i32
        %add3A_1096 = arith.addi %mul3A_1094, %add3A_1095 : i32
        %get3A_1097 = arith.index_cast %add3A_1096 : i32 to index
        %get3A_1098 = arith.constant 0 : index
        %get3A_1099 = tpu.vector_load %arg10[%get3A_1097, %get3A_1098] {strides = array<i32>} : memref<128x128xf32, #tpu.memory_space<vmem>>, vector<1x16xf32>,
        %get3A_1100 = vector.shape_cast %get3A_1099 : vector<1x16xf32> to vector<16xf32>
        %mul3A_1101 = arith.mulf %get3A_1100, %broadcast_in_dim3A_1092 : vector<16xf32>
        %swap3A_1102 = arith.index_cast %add3A_1096 : i32 to index
        %swap3A_1103 = arith.constant 0 : index
        %swap3A_1104 = tpu.vector_load %arg10[%swap3A_1102, %swap3A_1103] {strides = array<i32>} : memref<128x128xf32, #tpu.memory_space<vmem>>, vector<1x16xf32>,
        %swap3A_1105 = vector.shape_cast %swap3A_1104 : vector<1x16xf32> to vector<16xf32>
        %swap3A_1106 = vector.shape_cast %mul3A_1101 : vector<16xf32> to vector<1x16xf32>
        tpu.vector_store %arg10[%swap3A_1102, %swap3A_1103], %swap3A_1106 {strides = array<i32>} : memref<128x128xf32, #tpu.memory_space<vmem>>, vector<1x16xf32>,
        %get3A_1107 = arith.index_cast %add3A_1096 : i32 to index
        %get3A_1108 = arith.constant 16 : index
        %get3A_1109 = tpu.vector_load %arg10[%get3A_1107, %get3A_1108] {strides = array<i32>} : memref<128x128xf32, #tpu.memory_space<vmem>>, vector<1x16xf32>,
        %get3A_1110 = vector.shape_cast %get3A_1109 : vector<1x16xf32> to vector<16xf32>
        %mul3A_1111 = arith.mulf %get3A_1110, %broadcast_in_dim3A_1092 : vector<16xf32>
        %swap3A_1112 = arith.index_cast %add3A_1096 : i32 to index
        %swap3A_1113 = arith.constant 16 : index
        %swap3A_1114 = tpu.vector_load %arg10[%swap3A_1112, %swap3A_1113] {strides = array<i32>} : memref<128x128xf32, #tpu.memory_space<vmem>>, vector<1x16xf32>,
        %swap3A_1115 = vector.shape_cast %swap3A_1114 : vector<1x16xf32> to vector<16xf32>
        %swap3A_1116 = vector.shape_cast %mul3A_1111 : vector<16xf32> to vector<1x16xf32>
        tpu.vector_store %arg10[%swap3A_1112, %swap3A_1113], %swap3A_1116 {strides = array<i32>} : memref<128x128xf32, #tpu.memory_space<vmem>>, vector<1x16xf32>,
        %get3A_1117 = arith.index_cast %add3A_1096 : i32 to index
        %get3A_1118 = arith.constant 32 : index
        %get3A_1119 = tpu.vector_load %arg10[%get3A_1117, %get3A_1118] {strides = array<i32>} : memref<128x128xf32, #tpu.memory_space<vmem>>, vector<1x16xf32>,
        %get3A_1120 = vector.shape_cast %get3A_1119 : vector<1x16xf32> to vector<16xf32>
        %mul3A_1121 = arith.mulf %get3A_1120, %broadcast_in_dim3A_1092 : vector<16xf32>
        %swap3A_1122 = arith.index_cast %add3A_1096 : i32 to index
        %swap3A_1123 = arith.constant 32 : index
        %swap3A_1124 = tpu.vector_load %arg10[%swap3A_1122, %swap3A_1123] {strides = array<i32>} : memref<128x128xf32, #tpu.memory_space<vmem>>, vector<1x16xf32>,
        %swap3A_1125 = vector.shape_cast %swap3A_1124 : vector<1x16xf32> to vector<16xf32>
        %swap3A_1126 = vector.shape_cast %mul3A_1121 : vector<16xf32> to vector<1x16xf32>
        tpu.vector_store %arg10[%swap3A_1122, %swap3A_1123], %swap3A_1126 {strides = array<i32>} : memref<128x128xf32, #tpu.memory_space<vmem>>, vector<1x16xf32>,
        %get3A_1127 = arith.index_cast %add3A_1096 : i32 to index
        %get3A_1128 = arith.constant 48 : index
        %get3A_1129 = tpu.vector_load %arg10[%get3A_1127, %get3A_1128] {strides = array<i32>} : memref<128x128xf32, #tpu.memory_space<vmem>>, vector<1x16xf32>,
        %get3A_1130 = vector.shape_cast %get3A_1129 : vector<1x16xf32> to vector<16xf32>
        %mul3A_1131 = arith.mulf %get3A_1130, %broadcast_in_dim3A_1092 : vector<16xf32>
        %swap3A_1132 = arith.index_cast %add3A_1096 : i32 to index
        %swap3A_1133 = arith.constant 48 : index
        %swap3A_1134 = tpu.vector_load %arg10[%swap3A_1132, %swap3A_1133] {strides = array<i32>} : memref<128x128xf32, #tpu.memory_space<vmem>>, vector<1x16xf32>,
        %swap3A_1135 = vector.shape_cast %swap3A_1134 : vector<1x16xf32> to vector<16xf32>
        %swap3A_1136 = vector.shape_cast %mul3A_1131 : vector<16xf32> to vector<1x16xf32>
        tpu.vector_store %arg10[%swap3A_1132, %swap3A_1133], %swap3A_1136 {strides = array<i32>} : memref<128x128xf32, #tpu.memory_space<vmem>>, vector<1x16xf32>,
        %get3A_1137 = arith.index_cast %add3A_1096 : i32 to index
        %get3A_1138 = arith.constant 64 : index
        %get3A_1139 = tpu.vector_load %arg10[%get3A_1137, %get3A_1138] {strides = array<i32>} : memref<128x128xf32, #tpu.memory_space<vmem>>, vector<1x16xf32>,
        %get3A_1140 = vector.shape_cast %get3A_1139 : vector<1x16xf32> to vector<16xf32>
        %mul3A_1141 = arith.mulf %get3A_1140, %broadcast_in_dim3A_1092 : vector<16xf32>
        %swap3A_1142 = arith.index_cast %add3A_1096 : i32 to index
        %swap3A_1143 = arith.constant 64 : index
        %swap3A_1144 = tpu.vector_load %arg10[%swap3A_1142, %swap3A_1143] {strides = array<i32>} : memref<128x128xf32, #tpu.memory_space<vmem>>, vector<1x16xf32>,
        %swap3A_1145 = vector.shape_cast %swap3A_1144 : vector<1x16xf32> to vector<16xf32>
        %swap3A_1146 = vector.shape_cast %mul3A_1141 : vector<16xf32> to vector<1x16xf32>
        tpu.vector_store %arg10[%swap3A_1142, %swap3A_1143], %swap3A_1146 {strides = array<i32>} : memref<128x128xf32, #tpu.memory_space<vmem>>, vector<1x16xf32>,
        %get3A_1147 = arith.index_cast %add3A_1096 : i32 to index
        %get3A_1148 = arith.constant 80 : index
        %get3A_1149 = tpu.vector_load %arg10[%get3A_1147, %get3A_1148] {strides = array<i32>} : memref<128x128xf32, #tpu.memory_space<vmem>>, vector<1x16xf32>,
        %get3A_1150 = vector.shape_cast %get3A_1149 : vector<1x16xf32> to vector<16xf32>
        %mul3A_1151 = arith.mulf %get3A_1150, %broadcast_in_dim3A_1092 : vector<16xf32>
        %swap3A_1152 = arith.index_cast %add3A_1096 : i32 to index
        %swap3A_1153 = arith.constant 80 : index
        %swap3A_1154 = tpu.vector_load %arg10[%swap3A_1152, %swap3A_1153] {strides = array<i32>} : memref<128x128xf32, #tpu.memory_space<vmem>>, vector<1x16xf32>,
        %swap3A_1155 = vector.shape_cast %swap3A_1154 : vector<1x16xf32> to vector<16xf32>
        %swap3A_1156 = vector.shape_cast %mul3A_1151 : vector<16xf32> to vector<1x16xf32>
        tpu.vector_store %arg10[%swap3A_1152, %swap3A_1153], %swap3A_1156 {strides = array<i32>} : memref<128x128xf32, #tpu.memory_space<vmem>>, vector<1x16xf32>,
        %get3A_1157 = arith.index_cast %add3A_1096 : i32 to index
        %get3A_1158 = arith.constant 96 : index
        %get3A_1159 = tpu.vector_load %arg10[%get3A_1157, %get3A_1158] {strides = array<i32>} : memref<128x128xf32, #tpu.memory_space<vmem>>, vector<1x16xf32>,
        %get3A_1160 = vector.shape_cast %get3A_1159 : vector<1x16xf32> to vector<16xf32>
        %mul3A_1161 = arith.mulf %get3A_1160, %broadcast_in_dim3A_1092 : vector<16xf32>
        %swap3A_1162 = arith.index_cast %add3A_1096 : i32 to index
        %swap3A_1163 = arith.constant 96 : index
        %swap3A_1164 = tpu.vector_load %arg10[%swap3A_1162, %swap3A_1163] {strides = array<i32>} : memref<128x128xf32, #tpu.memory_space<vmem>>, vector<1x16xf32>,
        %swap3A_1165 = vector.shape_cast %swap3A_1164 : vector<1x16xf32> to vector<16xf32>
        %swap3A_1166 = vector.shape_cast %mul3A_1161 : vector<16xf32> to vector<1x16xf32>
        tpu.vector_store %arg10[%swap3A_1162, %swap3A_1163], %swap3A_1166 {strides = array<i32>} : memref<128x128xf32, #tpu.memory_space<vmem>>, vector<1x16xf32>,
        %get3A_1167 = arith.index_cast %add3A_1096 : i32 to index
        %get3A_1168 = arith.constant 112 : index
        %get3A_1169 = tpu.vector_load %arg10[%get3A_1167, %get3A_1168] {strides = array<i32>} : memref<128x128xf32, #tpu.memory_space<vmem>>, vector<1x16xf32>,
        %get3A_1170 = vector.shape_cast %get3A_1169 : vector<1x16xf32> to vector<16xf32>
        %mul3A_1171 = arith.mulf %get3A_1170, %broadcast_in_dim3A_1092 : vector<16xf32>
        %swap3A_1172 = arith.index_cast %add3A_1096 : i32 to index
        %swap3A_1173 = arith.constant 112 : index
        %swap3A_1174 = tpu.vector_load %arg10[%swap3A_1172, %swap3A_1173] {strides = array<i32>} : memref<128x128xf32, #tpu.memory_space<vmem>>, vector<1x16xf32>,
        %swap3A_1175 = vector.shape_cast %swap3A_1174 : vector<1x16xf32> to vector<16xf32>
        %swap3A_1176 = vector.shape_cast %mul3A_1171 : vector<16xf32> to vector<1x16xf32>
        tpu.vector_store %arg10[%swap3A_1172, %swap3A_1173], %swap3A_1176 {strides = array<i32>} : memref<128x128xf32, #tpu.memory_space<vmem>>, vector<1x16xf32>,
        %slice3A_1177 = vector.extract_strided_slice %get3A_48 {offsets = [13], sizes = [1], strides = [1]} : vector<16xf32> to vector<1xf32>
        %squeeze3A_1178 = vector.extract %slice3A_1177[0] : f32 from vector<1xf32>
        %broadcast_in_dim3A_1179 = vector.broadcast %squeeze3A_1178 : f32 to vector<16xf32>
        %mul3A_1180 = arith.constant 16 : i32
        %mul3A_1181 = arith.muli %scan3A_43, %mul3A_1180 : i32
        %add3A_1182 = arith.constant 13 : i32
        %add3A_1183 = arith.addi %mul3A_1181, %add3A_1182 : i32
        %get3A_1184 = arith.index_cast %add3A_1183 : i32 to index
        %get3A_1185 = arith.constant 0 : index
        %get3A_1186 = tpu.vector_load %arg10[%get3A_1184, %get3A_1185] {strides = array<i32>} : memref<128x128xf32, #tpu.memory_space<vmem>>, vector<1x16xf32>,
        %get3A_1187 = vector.shape_cast %get3A_1186 : vector<1x16xf32> to vector<16xf32>
        %mul3A_1188 = arith.mulf %get3A_1187, %broadcast_in_dim3A_1179 : vector<16xf32>
        %swap3A_1189 = arith.index_cast %add3A_1183 : i32 to index
        %swap3A_1190 = arith.constant 0 : index
        %swap3A_1191 = tpu.vector_load %arg10[%swap3A_1189, %swap3A_1190] {strides = array<i32>} : memref<128x128xf32, #tpu.memory_space<vmem>>, vector<1x16xf32>,
        %swap3A_1192 = vector.shape_cast %swap3A_1191 : vector<1x16xf32> to vector<16xf32>
        %swap3A_1193 = vector.shape_cast %mul3A_1188 : vector<16xf32> to vector<1x16xf32>
        tpu.vector_store %arg10[%swap3A_1189, %swap3A_1190], %swap3A_1193 {strides = array<i32>} : memref<128x128xf32, #tpu.memory_space<vmem>>, vector<1x16xf32>,
        %get3A_1194 = arith.index_cast %add3A_1183 : i32 to index
        %get3A_1195 = arith.constant 16 : index
        %get3A_1196 = tpu.vector_load %arg10[%get3A_1194, %get3A_1195] {strides = array<i32>} : memref<128x128xf32, #tpu.memory_space<vmem>>, vector<1x16xf32>,
        %get3A_1197 = vector.shape_cast %get3A_1196 : vector<1x16xf32> to vector<16xf32>
        %mul3A_1198 = arith.mulf %get3A_1197, %broadcast_in_dim3A_1179 : vector<16xf32>
        %swap3A_1199 = arith.index_cast %add3A_1183 : i32 to index
        %swap3A_1200 = arith.constant 16 : index
        %swap3A_1201 = tpu.vector_load %arg10[%swap3A_1199, %swap3A_1200] {strides = array<i32>} : memref<128x128xf32, #tpu.memory_space<vmem>>, vector<1x16xf32>,
        %swap3A_1202 = vector.shape_cast %swap3A_1201 : vector<1x16xf32> to vector<16xf32>
        %swap3A_1203 = vector.shape_cast %mul3A_1198 : vector<16xf32> to vector<1x16xf32>
        tpu.vector_store %arg10[%swap3A_1199, %swap3A_1200], %swap3A_1203 {strides = array<i32>} : memref<128x128xf32, #tpu.memory_space<vmem>>, vector<1x16xf32>,
        %get3A_1204 = arith.index_cast %add3A_1183 : i32 to index
        %get3A_1205 = arith.constant 32 : index
        %get3A_1206 = tpu.vector_load %arg10[%get3A_1204, %get3A_1205] {strides = array<i32>} : memref<128x128xf32, #tpu.memory_space<vmem>>, vector<1x16xf32>,
        %get3A_1207 = vector.shape_cast %get3A_1206 : vector<1x16xf32> to vector<16xf32>
        %mul3A_1208 = arith.mulf %get3A_1207, %broadcast_in_dim3A_1179 : vector<16xf32>
        %swap3A_1209 = arith.index_cast %add3A_1183 : i32 to index
        %swap3A_1210 = arith.constant 32 : index
        %swap3A_1211 = tpu.vector_load %arg10[%swap3A_1209, %swap3A_1210] {strides = array<i32>} : memref<128x128xf32, #tpu.memory_space<vmem>>, vector<1x16xf32>,
        %swap3A_1212 = vector.shape_cast %swap3A_1211 : vector<1x16xf32> to vector<16xf32>
        %swap3A_1213 = vector.shape_cast %mul3A_1208 : vector<16xf32> to vector<1x16xf32>
        tpu.vector_store %arg10[%swap3A_1209, %swap3A_1210], %swap3A_1213 {strides = array<i32>} : memref<128x128xf32, #tpu.memory_space<vmem>>, vector<1x16xf32>,
        %get3A_1214 = arith.index_cast %add3A_1183 : i32 to index
        %get3A_1215 = arith.constant 48 : index
        %get3A_1216 = tpu.vector_load %arg10[%get3A_1214, %get3A_1215] {strides = array<i32>} : memref<128x128xf32, #tpu.memory_space<vmem>>, vector<1x16xf32>,
        %get3A_1217 = vector.shape_cast %get3A_1216 : vector<1x16xf32> to vector<16xf32>
        %mul3A_1218 = arith.mulf %get3A_1217, %broadcast_in_dim3A_1179 : vector<16xf32>
        %swap3A_1219 = arith.index_cast %add3A_1183 : i32 to index
        %swap3A_1220 = arith.constant 48 : index
        %swap3A_1221 = tpu.vector_load %arg10[%swap3A_1219, %swap3A_1220] {strides = array<i32>} : memref<128x128xf32, #tpu.memory_space<vmem>>, vector<1x16xf32>,
        %swap3A_1222 = vector.shape_cast %swap3A_1221 : vector<1x16xf32> to vector<16xf32>
        %swap3A_1223 = vector.shape_cast %mul3A_1218 : vector<16xf32> to vector<1x16xf32>
        tpu.vector_store %arg10[%swap3A_1219, %swap3A_1220], %swap3A_1223 {strides = array<i32>} : memref<128x128xf32, #tpu.memory_space<vmem>>, vector<1x16xf32>,
        %get3A_1224 = arith.index_cast %add3A_1183 : i32 to index
        %get3A_1225 = arith.constant 64 : index
        %get3A_1226 = tpu.vector_load %arg10[%get3A_1224, %get3A_1225] {strides = array<i32>} : memref<128x128xf32, #tpu.memory_space<vmem>>, vector<1x16xf32>,
        %get3A_1227 = vector.shape_cast %get3A_1226 : vector<1x16xf32> to vector<16xf32>
        %mul3A_1228 = arith.mulf %get3A_1227, %broadcast_in_dim3A_1179 : vector<16xf32>
        %swap3A_1229 = arith.index_cast %add3A_1183 : i32 to index
        %swap3A_1230 = arith.constant 64 : index
        %swap3A_1231 = tpu.vector_load %arg10[%swap3A_1229, %swap3A_1230] {strides = array<i32>} : memref<128x128xf32, #tpu.memory_space<vmem>>, vector<1x16xf32>,
        %swap3A_1232 = vector.shape_cast %swap3A_1231 : vector<1x16xf32> to vector<16xf32>
        %swap3A_1233 = vector.shape_cast %mul3A_1228 : vector<16xf32> to vector<1x16xf32>
        tpu.vector_store %arg10[%swap3A_1229, %swap3A_1230], %swap3A_1233 {strides = array<i32>} : memref<128x128xf32, #tpu.memory_space<vmem>>, vector<1x16xf32>,
        %get3A_1234 = arith.index_cast %add3A_1183 : i32 to index
        %get3A_1235 = arith.constant 80 : index
        %get3A_1236 = tpu.vector_load %arg10[%get3A_1234, %get3A_1235] {strides = array<i32>} : memref<128x128xf32, #tpu.memory_space<vmem>>, vector<1x16xf32>,
        %get3A_1237 = vector.shape_cast %get3A_1236 : vector<1x16xf32> to vector<16xf32>
        %mul3A_1238 = arith.mulf %get3A_1237, %broadcast_in_dim3A_1179 : vector<16xf32>
        %swap3A_1239 = arith.index_cast %add3A_1183 : i32 to index
        %swap3A_1240 = arith.constant 80 : index
        %swap3A_1241 = tpu.vector_load %arg10[%swap3A_1239, %swap3A_1240] {strides = array<i32>} : memref<128x128xf32, #tpu.memory_space<vmem>>, vector<1x16xf32>,
        %swap3A_1242 = vector.shape_cast %swap3A_1241 : vector<1x16xf32> to vector<16xf32>
        %swap3A_1243 = vector.shape_cast %mul3A_1238 : vector<16xf32> to vector<1x16xf32>
        tpu.vector_store %arg10[%swap3A_1239, %swap3A_1240], %swap3A_1243 {strides = array<i32>} : memref<128x128xf32, #tpu.memory_space<vmem>>, vector<1x16xf32>,
        %get3A_1244 = arith.index_cast %add3A_1183 : i32 to index
        %get3A_1245 = arith.constant 96 : index
        %get3A_1246 = tpu.vector_load %arg10[%get3A_1244, %get3A_1245] {strides = array<i32>} : memref<128x128xf32, #tpu.memory_space<vmem>>, vector<1x16xf32>,
        %get3A_1247 = vector.shape_cast %get3A_1246 : vector<1x16xf32> to vector<16xf32>
        %mul3A_1248 = arith.mulf %get3A_1247, %broadcast_in_dim3A_1179 : vector<16xf32>
        %swap3A_1249 = arith.index_cast %add3A_1183 : i32 to index
        %swap3A_1250 = arith.constant 96 : index
        %swap3A_1251 = tpu.vector_load %arg10[%swap3A_1249, %swap3A_1250] {strides = array<i32>} : memref<128x128xf32, #tpu.memory_space<vmem>>, vector<1x16xf32>,
        %swap3A_1252 = vector.shape_cast %swap3A_1251 : vector<1x16xf32> to vector<16xf32>
        %swap3A_1253 = vector.shape_cast %mul3A_1248 : vector<16xf32> to vector<1x16xf32>
        tpu.vector_store %arg10[%swap3A_1249, %swap3A_1250], %swap3A_1253 {strides = array<i32>} : memref<128x128xf32, #tpu.memory_space<vmem>>, vector<1x16xf32>,
        %get3A_1254 = arith.index_cast %add3A_1183 : i32 to index
        %get3A_1255 = arith.constant 112 : index
        %get3A_1256 = tpu.vector_load %arg10[%get3A_1254, %get3A_1255] {strides = array<i32>} : memref<128x128xf32, #tpu.memory_space<vmem>>, vector<1x16xf32>,
        %get3A_1257 = vector.shape_cast %get3A_1256 : vector<1x16xf32> to vector<16xf32>
        %mul3A_1258 = arith.mulf %get3A_1257, %broadcast_in_dim3A_1179 : vector<16xf32>
        %swap3A_1259 = arith.index_cast %add3A_1183 : i32 to index
        %swap3A_1260 = arith.constant 112 : index
        %swap3A_1261 = tpu.vector_load %arg10[%swap3A_1259, %swap3A_1260] {strides = array<i32>} : memref<128x128xf32, #tpu.memory_space<vmem>>, vector<1x16xf32>,
        %swap3A_1262 = vector.shape_cast %swap3A_1261 : vector<1x16xf32> to vector<16xf32>
        %swap3A_1263 = vector.shape_cast %mul3A_1258 : vector<16xf32> to vector<1x16xf32>
        tpu.vector_store %arg10[%swap3A_1259, %swap3A_1260], %swap3A_1263 {strides = array<i32>} : memref<128x128xf32, #tpu.memory_space<vmem>>, vector<1x16xf32>,
        %slice3A_1264 = vector.extract_strided_slice %get3A_48 {offsets = [14], sizes = [1], strides = [1]} : vector<16xf32> to vector<1xf32>
        %squeeze3A_1265 = vector.extract %slice3A_1264[0] : f32 from vector<1xf32>
        %broadcast_in_dim3A_1266 = vector.broadcast %squeeze3A_1265 : f32 to vector<16xf32>
        %mul3A_1267 = arith.constant 16 : i32
        %mul3A_1268 = arith.muli %scan3A_43, %mul3A_1267 : i32
        %add3A_1269 = arith.constant 14 : i32
        %add3A_1270 = arith.addi %mul3A_1268, %add3A_1269 : i32
        %get3A_1271 = arith.index_cast %add3A_1270 : i32 to index
        %get3A_1272 = arith.constant 0 : index
        %get3A_1273 = tpu.vector_load %arg10[%get3A_1271, %get3A_1272] {strides = array<i32>} : memref<128x128xf32, #tpu.memory_space<vmem>>, vector<1x16xf32>,
        %get3A_1274 = vector.shape_cast %get3A_1273 : vector<1x16xf32> to vector<16xf32>
        %mul3A_1275 = arith.mulf %get3A_1274, %broadcast_in_dim3A_1266 : vector<16xf32>
        %swap3A_1276 = arith.index_cast %add3A_1270 : i32 to index
        %swap3A_1277 = arith.constant 0 : index
        %swap3A_1278 = tpu.vector_load %arg10[%swap3A_1276, %swap3A_1277] {strides = array<i32>} : memref<128x128xf32, #tpu.memory_space<vmem>>, vector<1x16xf32>,
        %swap3A_1279 = vector.shape_cast %swap3A_1278 : vector<1x16xf32> to vector<16xf32>
        %swap3A_1280 = vector.shape_cast %mul3A_1275 : vector<16xf32> to vector<1x16xf32>
        tpu.vector_store %arg10[%swap3A_1276, %swap3A_1277], %swap3A_1280 {strides = array<i32>} : memref<128x128xf32, #tpu.memory_space<vmem>>, vector<1x16xf32>,
        %get3A_1281 = arith.index_cast %add3A_1270 : i32 to index
        %get3A_1282 = arith.constant 16 : index
        %get3A_1283 = tpu.vector_load %arg10[%get3A_1281, %get3A_1282] {strides = array<i32>} : memref<128x128xf32, #tpu.memory_space<vmem>>, vector<1x16xf32>,
        %get3A_1284 = vector.shape_cast %get3A_1283 : vector<1x16xf32> to vector<16xf32>
        %mul3A_1285 = arith.mulf %get3A_1284, %broadcast_in_dim3A_1266 : vector<16xf32>
        %swap3A_1286 = arith.index_cast %add3A_1270 : i32 to index
        %swap3A_1287 = arith.constant 16 : index
        %swap3A_1288 = tpu.vector_load %arg10[%swap3A_1286, %swap3A_1287] {strides = array<i32>} : memref<128x128xf32, #tpu.memory_space<vmem>>, vector<1x16xf32>,
        %swap3A_1289 = vector.shape_cast %swap3A_1288 : vector<1x16xf32> to vector<16xf32>
        %swap3A_1290 = vector.shape_cast %mul3A_1285 : vector<16xf32> to vector<1x16xf32>
        tpu.vector_store %arg10[%swap3A_1286, %swap3A_1287], %swap3A_1290 {strides = array<i32>} : memref<128x128xf32, #tpu.memory_space<vmem>>, vector<1x16xf32>,
        %get3A_1291 = arith.index_cast %add3A_1270 : i32 to index
        %get3A_1292 = arith.constant 32 : index
        %get3A_1293 = tpu.vector_load %arg10[%get3A_1291, %get3A_1292] {strides = array<i32>} : memref<128x128xf32, #tpu.memory_space<vmem>>, vector<1x16xf32>,
        %get3A_1294 = vector.shape_cast %get3A_1293 : vector<1x16xf32> to vector<16xf32>
        %mul3A_1295 = arith.mulf %get3A_1294, %broadcast_in_dim3A_1266 : vector<16xf32>
        %swap3A_1296 = arith.index_cast %add3A_1270 : i32 to index
        %swap3A_1297 = arith.constant 32 : index
        %swap3A_1298 = tpu.vector_load %arg10[%swap3A_1296, %swap3A_1297] {strides = array<i32>} : memref<128x128xf32, #tpu.memory_space<vmem>>, vector<1x16xf32>,
        %swap3A_1299 = vector.shape_cast %swap3A_1298 : vector<1x16xf32> to vector<16xf32>
        %swap3A_1300 = vector.shape_cast %mul3A_1295 : vector<16xf32> to vector<1x16xf32>
        tpu.vector_store %arg10[%swap3A_1296, %swap3A_1297], %swap3A_1300 {strides = array<i32>} : memref<128x128xf32, #tpu.memory_space<vmem>>, vector<1x16xf32>,
        %get3A_1301 = arith.index_cast %add3A_1270 : i32 to index
        %get3A_1302 = arith.constant 48 : index
        %get3A_1303 = tpu.vector_load %arg10[%get3A_1301, %get3A_1302] {strides = array<i32>} : memref<128x128xf32, #tpu.memory_space<vmem>>, vector<1x16xf32>,
        %get3A_1304 = vector.shape_cast %get3A_1303 : vector<1x16xf32> to vector<16xf32>
        %mul3A_1305 = arith.mulf %get3A_1304, %broadcast_in_dim3A_1266 : vector<16xf32>
        %swap3A_1306 = arith.index_cast %add3A_1270 : i32 to index
        %swap3A_1307 = arith.constant 48 : index
        %swap3A_1308 = tpu.vector_load %arg10[%swap3A_1306, %swap3A_1307] {strides = array<i32>} : memref<128x128xf32, #tpu.memory_space<vmem>>, vector<1x16xf32>,
        %swap3A_1309 = vector.shape_cast %swap3A_1308 : vector<1x16xf32> to vector<16xf32>
        %swap3A_1310 = vector.shape_cast %mul3A_1305 : vector<16xf32> to vector<1x16xf32>
        tpu.vector_store %arg10[%swap3A_1306, %swap3A_1307], %swap3A_1310 {strides = array<i32>} : memref<128x128xf32, #tpu.memory_space<vmem>>, vector<1x16xf32>,
        %get3A_1311 = arith.index_cast %add3A_1270 : i32 to index
        %get3A_1312 = arith.constant 64 : index
        %get3A_1313 = tpu.vector_load %arg10[%get3A_1311, %get3A_1312] {strides = array<i32>} : memref<128x128xf32, #tpu.memory_space<vmem>>, vector<1x16xf32>,
        %get3A_1314 = vector.shape_cast %get3A_1313 : vector<1x16xf32> to vector<16xf32>
        %mul3A_1315 = arith.mulf %get3A_1314, %broadcast_in_dim3A_1266 : vector<16xf32>
        %swap3A_1316 = arith.index_cast %add3A_1270 : i32 to index
        %swap3A_1317 = arith.constant 64 : index
        %swap3A_1318 = tpu.vector_load %arg10[%swap3A_1316, %swap3A_1317] {strides = array<i32>} : memref<128x128xf32, #tpu.memory_space<vmem>>, vector<1x16xf32>,
        %swap3A_1319 = vector.shape_cast %swap3A_1318 : vector<1x16xf32> to vector<16xf32>
        %swap3A_1320 = vector.shape_cast %mul3A_1315 : vector<16xf32> to vector<1x16xf32>
        tpu.vector_store %arg10[%swap3A_1316, %swap3A_1317], %swap3A_1320 {strides = array<i32>} : memref<128x128xf32, #tpu.memory_space<vmem>>, vector<1x16xf32>,
        %get3A_1321 = arith.index_cast %add3A_1270 : i32 to index
        %get3A_1322 = arith.constant 80 : index
        %get3A_1323 = tpu.vector_load %arg10[%get3A_1321, %get3A_1322] {strides = array<i32>} : memref<128x128xf32, #tpu.memory_space<vmem>>, vector<1x16xf32>,
        %get3A_1324 = vector.shape_cast %get3A_1323 : vector<1x16xf32> to vector<16xf32>
        %mul3A_1325 = arith.mulf %get3A_1324, %broadcast_in_dim3A_1266 : vector<16xf32>
        %swap3A_1326 = arith.index_cast %add3A_1270 : i32 to index
        %swap3A_1327 = arith.constant 80 : index
        %swap3A_1328 = tpu.vector_load %arg10[%swap3A_1326, %swap3A_1327] {strides = array<i32>} : memref<128x128xf32, #tpu.memory_space<vmem>>, vector<1x16xf32>,
        %swap3A_1329 = vector.shape_cast %swap3A_1328 : vector<1x16xf32> to vector<16xf32>
        %swap3A_1330 = vector.shape_cast %mul3A_1325 : vector<16xf32> to vector<1x16xf32>
        tpu.vector_store %arg10[%swap3A_1326, %swap3A_1327], %swap3A_1330 {strides = array<i32>} : memref<128x128xf32, #tpu.memory_space<vmem>>, vector<1x16xf32>,
        %get3A_1331 = arith.index_cast %add3A_1270 : i32 to index
        %get3A_1332 = arith.constant 96 : index
        %get3A_1333 = tpu.vector_load %arg10[%get3A_1331, %get3A_1332] {strides = array<i32>} : memref<128x128xf32, #tpu.memory_space<vmem>>, vector<1x16xf32>,
        %get3A_1334 = vector.shape_cast %get3A_1333 : vector<1x16xf32> to vector<16xf32>
        %mul3A_1335 = arith.mulf %get3A_1334, %broadcast_in_dim3A_1266 : vector<16xf32>
        %swap3A_1336 = arith.index_cast %add3A_1270 : i32 to index
        %swap3A_1337 = arith.constant 96 : index
        %swap3A_1338 = tpu.vector_load %arg10[%swap3A_1336, %swap3A_1337] {strides = array<i32>} : memref<128x128xf32, #tpu.memory_space<vmem>>, vector<1x16xf32>,
        %swap3A_1339 = vector.shape_cast %swap3A_1338 : vector<1x16xf32> to vector<16xf32>
        %swap3A_1340 = vector.shape_cast %mul3A_1335 : vector<16xf32> to vector<1x16xf32>
        tpu.vector_store %arg10[%swap3A_1336, %swap3A_1337], %swap3A_1340 {strides = array<i32>} : memref<128x128xf32, #tpu.memory_space<vmem>>, vector<1x16xf32>,
        %get3A_1341 = arith.index_cast %add3A_1270 : i32 to index
        %get3A_1342 = arith.constant 112 : index
        %get3A_1343 = tpu.vector_load %arg10[%get3A_1341, %get3A_1342] {strides = array<i32>} : memref<128x128xf32, #tpu.memory_space<vmem>>, vector<1x16xf32>,
        %get3A_1344 = vector.shape_cast %get3A_1343 : vector<1x16xf32> to vector<16xf32>
        %mul3A_1345 = arith.mulf %get3A_1344, %broadcast_in_dim3A_1266 : vector<16xf32>
        %swap3A_1346 = arith.index_cast %add3A_1270 : i32 to index
        %swap3A_1347 = arith.constant 112 : index
        %swap3A_1348 = tpu.vector_load %arg10[%swap3A_1346, %swap3A_1347] {strides = array<i32>} : memref<128x128xf32, #tpu.memory_space<vmem>>, vector<1x16xf32>,
        %swap3A_1349 = vector.shape_cast %swap3A_1348 : vector<1x16xf32> to vector<16xf32>
        %swap3A_1350 = vector.shape_cast %mul3A_1345 : vector<16xf32> to vector<1x16xf32>
        tpu.vector_store %arg10[%swap3A_1346, %swap3A_1347], %swap3A_1350 {strides = array<i32>} : memref<128x128xf32, #tpu.memory_space<vmem>>, vector<1x16xf32>,
        %slice3A_1351 = vector.extract_strided_slice %get3A_48 {offsets = [15], sizes = [1], strides = [1]} : vector<16xf32> to vector<1xf32>
        %squeeze3A_1352 = vector.extract %slice3A_1351[0] : f32 from vector<1xf32>
        %broadcast_in_dim3A_1353 = vector.broadcast %squeeze3A_1352 : f32 to vector<16xf32>
        %mul3A_1354 = arith.constant 16 : i32
        %mul3A_1355 = arith.muli %scan3A_43, %mul3A_1354 : i32
        %add3A_1356 = arith.constant 15 : i32
        %add3A_1357 = arith.addi %mul3A_1355, %add3A_1356 : i32
        %get3A_1358 = arith.index_cast %add3A_1357 : i32 to index
        %get3A_1359 = arith.constant 0 : index
        %get3A_1360 = tpu.vector_load %arg10[%get3A_1358, %get3A_1359] {strides = array<i32>} : memref<128x128xf32, #tpu.memory_space<vmem>>, vector<1x16xf32>,
        %get3A_1361 = vector.shape_cast %get3A_1360 : vector<1x16xf32> to vector<16xf32>
        %mul3A_1362 = arith.mulf %get3A_1361, %broadcast_in_dim3A_1353 : vector<16xf32>
        %swap3A_1363 = arith.index_cast %add3A_1357 : i32 to index
        %swap3A_1364 = arith.constant 0 : index
        %swap3A_1365 = tpu.vector_load %arg10[%swap3A_1363, %swap3A_1364] {strides = array<i32>} : memref<128x128xf32, #tpu.memory_space<vmem>>, vector<1x16xf32>,
        %swap3A_1366 = vector.shape_cast %swap3A_1365 : vector<1x16xf32> to vector<16xf32>
        %swap3A_1367 = vector.shape_cast %mul3A_1362 : vector<16xf32> to vector<1x16xf32>
        tpu.vector_store %arg10[%swap3A_1363, %swap3A_1364], %swap3A_1367 {strides = array<i32>} : memref<128x128xf32, #tpu.memory_space<vmem>>, vector<1x16xf32>,
        %get3A_1368 = arith.index_cast %add3A_1357 : i32 to index
        %get3A_1369 = arith.constant 16 : index
        %get3A_1370 = tpu.vector_load %arg10[%get3A_1368, %get3A_1369] {strides = array<i32>} : memref<128x128xf32, #tpu.memory_space<vmem>>, vector<1x16xf32>,
        %get3A_1371 = vector.shape_cast %get3A_1370 : vector<1x16xf32> to vector<16xf32>
        %mul3A_1372 = arith.mulf %get3A_1371, %broadcast_in_dim3A_1353 : vector<16xf32>
        %swap3A_1373 = arith.index_cast %add3A_1357 : i32 to index
        %swap3A_1374 = arith.constant 16 : index
        %swap3A_1375 = tpu.vector_load %arg10[%swap3A_1373, %swap3A_1374] {strides = array<i32>} : memref<128x128xf32, #tpu.memory_space<vmem>>, vector<1x16xf32>,
        %swap3A_1376 = vector.shape_cast %swap3A_1375 : vector<1x16xf32> to vector<16xf32>
        %swap3A_1377 = vector.shape_cast %mul3A_1372 : vector<16xf32> to vector<1x16xf32>
        tpu.vector_store %arg10[%swap3A_1373, %swap3A_1374], %swap3A_1377 {strides = array<i32>} : memref<128x128xf32, #tpu.memory_space<vmem>>, vector<1x16xf32>,
        %get3A_1378 = arith.index_cast %add3A_1357 : i32 to index
        %get3A_1379 = arith.constant 32 : index
        %get3A_1380 = tpu.vector_load %arg10[%get3A_1378, %get3A_1379] {strides = array<i32>} : memref<128x128xf32, #tpu.memory_space<vmem>>, vector<1x16xf32>,
        %get3A_1381 = vector.shape_cast %get3A_1380 : vector<1x16xf32> to vector<16xf32>
        %mul3A_1382 = arith.mulf %get3A_1381, %broadcast_in_dim3A_1353 : vector<16xf32>
        %swap3A_1383 = arith.index_cast %add3A_1357 : i32 to index
        %swap3A_1384 = arith.constant 32 : index
        %swap3A_1385 = tpu.vector_load %arg10[%swap3A_1383, %swap3A_1384] {strides = array<i32>} : memref<128x128xf32, #tpu.memory_space<vmem>>, vector<1x16xf32>,
        %swap3A_1386 = vector.shape_cast %swap3A_1385 : vector<1x16xf32> to vector<16xf32>
        %swap3A_1387 = vector.shape_cast %mul3A_1382 : vector<16xf32> to vector<1x16xf32>
        tpu.vector_store %arg10[%swap3A_1383, %swap3A_1384], %swap3A_1387 {strides = array<i32>} : memref<128x128xf32, #tpu.memory_space<vmem>>, vector<1x16xf32>,
        %get3A_1388 = arith.index_cast %add3A_1357 : i32 to index
        %get3A_1389 = arith.constant 48 : index
        %get3A_1390 = tpu.vector_load %arg10[%get3A_1388, %get3A_1389] {strides = array<i32>} : memref<128x128xf32, #tpu.memory_space<vmem>>, vector<1x16xf32>,
        %get3A_1391 = vector.shape_cast %get3A_1390 : vector<1x16xf32> to vector<16xf32>
        %mul3A_1392 = arith.mulf %get3A_1391, %broadcast_in_dim3A_1353 : vector<16xf32>
        %swap3A_1393 = arith.index_cast %add3A_1357 : i32 to index
        %swap3A_1394 = arith.constant 48 : index
        %swap3A_1395 = tpu.vector_load %arg10[%swap3A_1393, %swap3A_1394] {strides = array<i32>} : memref<128x128xf32, #tpu.memory_space<vmem>>, vector<1x16xf32>,
        %swap3A_1396 = vector.shape_cast %swap3A_1395 : vector<1x16xf32> to vector<16xf32>
        %swap3A_1397 = vector.shape_cast %mul3A_1392 : vector<16xf32> to vector<1x16xf32>
        tpu.vector_store %arg10[%swap3A_1393, %swap3A_1394], %swap3A_1397 {strides = array<i32>} : memref<128x128xf32, #tpu.memory_space<vmem>>, vector<1x16xf32>,
        %get3A_1398 = arith.index_cast %add3A_1357 : i32 to index
        %get3A_1399 = arith.constant 64 : index
        %get3A_1400 = tpu.vector_load %arg10[%get3A_1398, %get3A_1399] {strides = array<i32>} : memref<128x128xf32, #tpu.memory_space<vmem>>, vector<1x16xf32>,
        %get3A_1401 = vector.shape_cast %get3A_1400 : vector<1x16xf32> to vector<16xf32>
        %mul3A_1402 = arith.mulf %get3A_1401, %broadcast_in_dim3A_1353 : vector<16xf32>
        %swap3A_1403 = arith.index_cast %add3A_1357 : i32 to index
        %swap3A_1404 = arith.constant 64 : index
        %swap3A_1405 = tpu.vector_load %arg10[%swap3A_1403, %swap3A_1404] {strides = array<i32>} : memref<128x128xf32, #tpu.memory_space<vmem>>, vector<1x16xf32>,
        %swap3A_1406 = vector.shape_cast %swap3A_1405 : vector<1x16xf32> to vector<16xf32>
        %swap3A_1407 = vector.shape_cast %mul3A_1402 : vector<16xf32> to vector<1x16xf32>
        tpu.vector_store %arg10[%swap3A_1403, %swap3A_1404], %swap3A_1407 {strides = array<i32>} : memref<128x128xf32, #tpu.memory_space<vmem>>, vector<1x16xf32>,
        %get3A_1408 = arith.index_cast %add3A_1357 : i32 to index
        %get3A_1409 = arith.constant 80 : index
        %get3A_1410 = tpu.vector_load %arg10[%get3A_1408, %get3A_1409] {strides = array<i32>} : memref<128x128xf32, #tpu.memory_space<vmem>>, vector<1x16xf32>,
        %get3A_1411 = vector.shape_cast %get3A_1410 : vector<1x16xf32> to vector<16xf32>
        %mul3A_1412 = arith.mulf %get3A_1411, %broadcast_in_dim3A_1353 : vector<16xf32>
        %swap3A_1413 = arith.index_cast %add3A_1357 : i32 to index
        %swap3A_1414 = arith.constant 80 : index
        %swap3A_1415 = tpu.vector_load %arg10[%swap3A_1413, %swap3A_1414] {strides = array<i32>} : memref<128x128xf32, #tpu.memory_space<vmem>>, vector<1x16xf32>,
        %swap3A_1416 = vector.shape_cast %swap3A_1415 : vector<1x16xf32> to vector<16xf32>
        %swap3A_1417 = vector.shape_cast %mul3A_1412 : vector<16xf32> to vector<1x16xf32>
        tpu.vector_store %arg10[%swap3A_1413, %swap3A_1414], %swap3A_1417 {strides = array<i32>} : memref<128x128xf32, #tpu.memory_space<vmem>>, vector<1x16xf32>,
        %get3A_1418 = arith.index_cast %add3A_1357 : i32 to index
        %get3A_1419 = arith.constant 96 : index
        %get3A_1420 = tpu.vector_load %arg10[%get3A_1418, %get3A_1419] {strides = array<i32>} : memref<128x128xf32, #tpu.memory_space<vmem>>, vector<1x16xf32>,
        %get3A_1421 = vector.shape_cast %get3A_1420 : vector<1x16xf32> to vector<16xf32>
        %mul3A_1422 = arith.mulf %get3A_1421, %broadcast_in_dim3A_1353 : vector<16xf32>
        %swap3A_1423 = arith.index_cast %add3A_1357 : i32 to index
        %swap3A_1424 = arith.constant 96 : index
        %swap3A_1425 = tpu.vector_load %arg10[%swap3A_1423, %swap3A_1424] {strides = array<i32>} : memref<128x128xf32, #tpu.memory_space<vmem>>, vector<1x16xf32>,
        %swap3A_1426 = vector.shape_cast %swap3A_1425 : vector<1x16xf32> to vector<16xf32>
        %swap3A_1427 = vector.shape_cast %mul3A_1422 : vector<16xf32> to vector<1x16xf32>
        tpu.vector_store %arg10[%swap3A_1423, %swap3A_1424], %swap3A_1427 {strides = array<i32>} : memref<128x128xf32, #tpu.memory_space<vmem>>, vector<1x16xf32>,
        %get3A_1428 = arith.index_cast %add3A_1357 : i32 to index
        %get3A_1429 = arith.constant 112 : index
        %get3A_1430 = tpu.vector_load %arg10[%get3A_1428, %get3A_1429] {strides = array<i32>} : memref<128x128xf32, #tpu.memory_space<vmem>>, vector<1x16xf32>,
        %get3A_1431 = vector.shape_cast %get3A_1430 : vector<1x16xf32> to vector<16xf32>
        %mul3A_1432 = arith.mulf %get3A_1431, %broadcast_in_dim3A_1353 : vector<16xf32>
        %swap3A_1433 = arith.index_cast %add3A_1357 : i32 to index
        %swap3A_1434 = arith.constant 112 : index
        %swap3A_1435 = tpu.vector_load %arg10[%swap3A_1433, %swap3A_1434] {strides = array<i32>} : memref<128x128xf32, #tpu.memory_space<vmem>>, vector<1x16xf32>,
        %swap3A_1436 = vector.shape_cast %swap3A_1435 : vector<1x16xf32> to vector<16xf32>
        %swap3A_1437 = vector.shape_cast %mul3A_1432 : vector<16xf32> to vector<1x16xf32>
        tpu.vector_store %arg10[%swap3A_1433, %swap3A_1434], %swap3A_1437 {strides = array<i32>} : memref<128x128xf32, #tpu.memory_space<vmem>>, vector<1x16xf32>,
      }
      %scan3A_42 = arith.constant 8 : i32
      "tpu.region"() ({
        %run_scoped3A = tpu.sem_alloc : memref<!tpu.dma_semaphore, #tpu.memory_space<semaphore_mem>>
        %dma_start3A_43 = arith.constant 0 : i32
        %dma_start3A_44 = tpu.memref_slice %arg7[%scan3A_26, %dma_start3A_43] : memref<79x128xi32, #tpu.memory_space<vmem>> -> memref<1x128xi32, #tpu.memory_space<vmem>>
        %dma_start3A_45 = tpu.memref_squeeze %dma_start3A_44 : memref<1x128xi32, #tpu.memory_space<vmem>> -> memref<128xi32, #tpu.memory_space<vmem>>
        %dma_start3A_46 = arith.constant 0 : i32
        %dma_start3A_47 = arith.constant 0 : i32
        %dma_start3A_48 = tpu.memref_slice %arg11[%dma_start3A_46, %dma_start3A_47] : memref<10112x128xf32, #tpu.memory_space<vmem_shared>> -> memref<10112x128xf32, #tpu.memory_space<vmem_shared>>
        tpu.enqueue_indirect_dma source(%arg10 : memref<128x128xf32, #tpu.memory_space<vmem>>) target(%dma_start3A_48 : memref<10112x128xf32, #tpu.memory_space<vmem_shared>>) offsets(%dma_start3A_45 : memref<128xi32, #tpu.memory_space<vmem>>) semaphore(%run_scoped3A : memref<!tpu.dma_semaphore, #tpu.memory_space<semaphore_mem>>) {add = true}
        %dma_wait3A_49 = arith.constant 0 : i32
        %dma_wait3A_50 = tpu.memref_slice %arg7[%scan3A_26, %dma_wait3A_49] : memref<79x128xi32, #tpu.memory_space<vmem>> -> memref<1x128xi32, #tpu.memory_space<vmem>>
        %dma_wait3A_51 = tpu.memref_squeeze %dma_wait3A_50 : memref<1x128xi32, #tpu.memory_space<vmem>> -> memref<128xi32, #tpu.memory_space<vmem>>
        %dma_wait3A_52 = arith.constant 0 : i32
        %dma_wait3A_53 = arith.constant 0 : i32
        %dma_wait3A_54 = tpu.memref_slice %arg11[%dma_wait3A_52, %dma_wait3A_53] : memref<10112x128xf32, #tpu.memory_space<vmem_shared>> -> memref<10112x128xf32, #tpu.memory_space<vmem_shared>>
        tpu.wait_indirect_dma semaphore(%run_scoped3A : memref<!tpu.dma_semaphore, #tpu.memory_space<semaphore_mem>>) src(%arg10 : memref<128x128xf32, #tpu.memory_space<vmem>>) dst(%dma_wait3A_54 : memref<10112x128xf32, #tpu.memory_space<vmem_shared>>)
        tpu.yield
      }) : () -> ()
    }
    %scan3A_24 = arith.constant 79 : i32
    %barrier3A_25 = arith.constant 0 : index
    tpu.barrier barrier_id(%barrier3A_25)
    "tpu.region"() ({
      %run_scoped3A = tpu.sem_alloc : memref<!tpu.dma_semaphore, #tpu.memory_space<semaphore_mem>>
      %dma_start3A = arith.constant 0 : i32
      %dma_start3A_26 = tpu.memref_slice %arg6[%arg0, %mul3A_8, %dma_start3A] : memref<2x10112x128xf32, #tpu.memory_space<hbm>> -> memref<1x632x128xf32, #tpu.memory_space<hbm>>
      %dma_start3A_27 = tpu.memref_squeeze %dma_start3A_26 : memref<1x632x128xf32, #tpu.memory_space<hbm>> -> memref<632x128xf32, #tpu.memory_space<hbm>>
      %dma_start3A_28 = arith.constant 0 : i32
      %dma_start3A_29 = tpu.memref_slice %arg11[%mul3A_8, %dma_start3A_28] : memref<10112x128xf32, #tpu.memory_space<vmem_shared>> -> memref<632x128xf32, #tpu.memory_space<vmem_shared>>
      tpu.enqueue_dma source(%dma_start3A_29 : memref<632x128xf32, #tpu.memory_space<vmem_shared>>) target(%dma_start3A_27 : memref<632x128xf32, #tpu.memory_space<hbm>>) target_semaphore(%run_scoped3A : memref<!tpu.dma_semaphore, #tpu.memory_space<semaphore_mem>>)
      %dma_wait3A = arith.constant 0 : i32
      %dma_wait3A_30 = tpu.memref_slice %arg6[%arg0, %mul3A_8, %dma_wait3A] : memref<2x10112x128xf32, #tpu.memory_space<hbm>> -> memref<1x632x128xf32, #tpu.memory_space<hbm>>
      %dma_wait3A_31 = tpu.memref_squeeze %dma_wait3A_30 : memref<1x632x128xf32, #tpu.memory_space<hbm>> -> memref<632x128xf32, #tpu.memory_space<hbm>>
      %dma_wait3A_32 = arith.constant 0 : i32
      %dma_wait3A_33 = tpu.memref_slice %arg11[%mul3A_8, %dma_wait3A_32] : memref<10112x128xf32, #tpu.memory_space<vmem_shared>> -> memref<632x128xf32, #tpu.memory_space<vmem_shared>>
      tpu.wait_dma2 semaphore(%run_scoped3A : memref<!tpu.dma_semaphore, #tpu.memory_space<semaphore_mem>>) src(%dma_wait3A_33 : memref<632x128xf32, #tpu.memory_space<vmem_shared>>) dst(%dma_wait3A_31 : memref<632x128xf32, #tpu.memory_space<hbm>>)
      tpu.yield
    }) : () -> ()
    return
  }
}

module attributes {stable_mosaic.version = 14 : i64} {
  func.func @body(%arg0: i32, %arg1: memref<2x1000x128xf32, #tpu.memory_space<vmem>>, %arg2: memref<128x128xf32, #tpu.memory_space<vmem>>, %arg3: memref<1000x128xf32, #tpu.memory_space<vmem>>) attributes {dimension_semantics = [#tpu.dimension_semantics<arbitrary>], iteration_bounds = array<i64: 10>, scalar_prefetch = 0 : i64, scratch_operands = 0 : i64, tpu.core_type = #tpu.core_type<tc>, window_params = [{transform_indices = @transform_0, window_bounds = array<i64: 2, 1000, 128>}, {pipeline_mode = #tpu.pipeline_mode<synchronous>, transform_indices = @transform_1, window_bounds = array<i64: 128, 128>}, {transform_indices = @transform_2, window_bounds = array<i64: 1000, 128>}]} {
    %get3A = arith.constant 0 : index
    %get3A_0 = arith.constant 0 : index
    %get3A_1 = arith.constant 0 : index
    %get3A_2 = vector.load %arg1[%get3A, %get3A_0, %get3A_1] : memref<2x1000x128xf32, #tpu.memory_space<vmem>>, vector<1x1000x128xf32>
    %get3A_3 = vector.shape_cast %get3A_2 : vector<1x1000x128xf32> to vector<1000x128xf32>
    %get3A_4 = arith.constant 1 : index
    %get3A_5 = arith.constant 0 : index
    %get3A_6 = arith.constant 0 : index
    %get3A_7 = vector.load %arg1[%get3A_4, %get3A_5, %get3A_6] : memref<2x1000x128xf32, #tpu.memory_space<vmem>>, vector<1x1000x128xf32>
    %get3A_8 = vector.shape_cast %get3A_7 : vector<1x1000x128xf32> to vector<1000x128xf32>
    %add3A = arith.addf %get3A_3, %get3A_8 : vector<1000x128xf32>
    %get3A_9 = arith.constant 0 : index
    %get3A_10 = arith.constant 0 : index
    %get3A_11 = vector.load %arg2[%get3A_9, %get3A_10] : memref<128x128xf32, #tpu.memory_space<vmem>>, vector<128x128xf32>
    %dot_general3A = arith.constant dense<0.000000e+00> : vector<1000x128xf32>
    %dot_general3A_12 = tpu.matmul %add3A, %get3A_11, %dot_general3A {dimension_numbers = #tpu.dot_dimension_numbers<[1], [0], [0], [1], [0, 0, 1, 1], [], []>, precision = #tpu.contract_precision<fp32>, transpose_lhs_hint = false} : vector<1000x128xf32>, vector<128x128xf32>, vector<1000x128xf32> -> vector<1000x128xf32>
    %swap3A = arith.constant 0 : index
    %swap3A_13 = arith.constant 0 : index
    %swap3A_14 = vector.load %arg3[%swap3A, %swap3A_13] : memref<1000x128xf32, #tpu.memory_space<vmem>>, vector<1000x128xf32>
    tpu.vector_store %arg3[%swap3A, %swap3A_13], %dot_general3A_12 {strides = array<i32>} : memref<1000x128xf32, #tpu.memory_space<vmem>>, vector<1000x128xf32>,
    return
  }
  func.func @transform_0(%arg0: i32) -> (i32, i32, i32) {
    %c0_i32 = arith.constant 0 : i32
    %c0_i32_0 = arith.constant 0 : i32
    %c0_i32_1 = arith.constant 0 : i32
    return %c0_i32, %arg0, %c0_i32_0 : i32, i32, i32
  }
  func.func @transform_1(%arg0: i32) -> (i32, i32) {
    %c0_i32 = arith.constant 0 : i32
    %c0_i32_0 = arith.constant 0 : i32
    %c0_i32_1 = arith.constant 0 : i32
    return %c0_i32, %c0_i32_0 : i32, i32
  }
  func.func @transform_2(%arg0: i32) -> (i32, i32) {
    %c0_i32 = arith.constant 0 : i32
    %c0_i32_0 = arith.constant 0 : i32
    return %arg0, %c0_i32 : i32, i32
  }
}

</mosaic_0001>

<sc_bundles>
// kernel: kernel.4.cloned.1.call-start
scs
__scs_entry_jumppad:
0x0: {  	(pc) =	sbr.rel $0x88, $3  }
0x1: {  	(tag) =	ssettag $0x0;
	lr =	simm.s32 $0x1  }
0x2: {  	[smem:$0x3F9D] =	sst lr;
	_ =	strace $0xD0000000  }
0x3: {  	_ = 	snop  }
0x4: {  	_ = 	snop  }
0x5: {  	_ = 	snop  }
0x6: {  	_ = 	snop  }
0x7: {  	_ = 	snop  }
__scs_overlays_trampoline_lowered:
0x8: {  	[smem:$0x3FAC] =	sst s0  }
0x9: {  	[smem:$0x3FAD] =	sst s1  }
0xa: {  	[smem:$0x3FAE] =	sst s2  }
0xb: {  	[smem:$0x3FAF] =	sst s3  }
0xc: {  	[smem:$0x3FB0] =	sst s4  }
0xd: {  	[smem:$0x3FB1] =	sst s5  }
0xe: {  	[smem:$0x3FB2] =	sst s6  }
0xf: {  	[smem:$0x3FB3] =	sst s7  }
0x10: {  	[smem:$0x3FB4] =	sst s8  }
0x11: {  	[smem:$0x3FB5] =	sst s9;
	s0 =	simm.s32 @!p0 $0x0  }
0x12: {  	s1 =	sld [smem:$0x3F9B];
	s0 =	simm.s32 @p0 $0x1  }
0x13: {  	[smem:$0x3FB6] =	sst s0;
	s0 =	simm.s32 @!p1 $0x0  }
0x14: {  	s2 =	sld [smem:$0x3F9A];
	s0 =	simm.s32 @p1 $0x1  }
0x15: {  	[smem:$0x3FB7] =	sst s0;
	s0 =	simm.s32 @!p2 $0x0  }
0x16: {  	s3 =	sld [smem:$0x3FDB];
	s0 =	simm.s32 @p2 $0x1  }
0x17: {  	s4 =	simm.s32 $0x1BF5;
	[smem:$0x3FB9] =	sst s0  }
0x18: {  	s0 =	sld [smem:$0x3F9C];
	_ =	swait.ge [sflag:s4], $0x0  }
0x19: {  	s7 =	sld [smem:$0x3F9D]  }
0x1a: {  	s8 =	sadd.s32 $0xFFFFE003, lr  }
0x1b: {  	s9 =	sadd.s32 $0xFFFFFEF7, lr;
	s5 =	simm.s32 $0xFFFFFFFF;
	p2 =	slt.u32 s8, $0xFFFFF086  }
0x1c: {  	p1 =	slt.u32 s9, $0xF7A;
	s5 =	simm.s32 @!p2 $0x0  }
0x1d: {  	s5 =	simm.s32 @p1 $0x1;
	p0 =	seq.s32 s7, s2  }
0x1e: {  	s7 =	smul.u32 @!p0 $0xF7A, s2;
	p2 =	seq.s32 @!p0 s5, $0x0  }
0x1f: {  	s9 =	smul.u32 $0xF7A, s1;
	s8 =	simm.s32 @!p0 $0x1BF5;
	p2 =	por !p2, p0  }
0x20: {  	[sflag:s8] =	ssyncset.s32 @!p0 $0xFFFFF086;
	s6 =	sadd.s32 @!p0 s3, s7;
	s7 =	simm.s32 @!p0 $0x108  }
0x21: {  	s3 =	sadd.s32 s3, s9;
	s6 =	sadd.s32 @!p0 $0x88, s6;
	s7 =	simm.s32 @p2 $0x1082  }
0x22: {  	[simem:s7], [sflag:s8] =	dma.local @!p0 [hbm:s6], $0xF7A  }
0x23: {  	s9 =	sor.u32 $0xD0000000, s2;
	s6 =	simm.s32 $0x108;
	_ =	swait.ge @!p0 [sflag:s8], $0x0  }
0x24: {  	s3 =	sadd.s32 $0x88, s3;
	s6 =	simm.s32 @!p1 $0x1082;
	[sflag:s4] =	ssyncset.s32 $0xFFFFF086  }
0x25: {  	[simem:s6], [sflag:s4] =	dma.local [hbm:s3], $0xF7A  }
0x26: {  	[smem:$0x3F9D] =	sst s1;
	(tag) =	ssettag s2;
	_ =	strace s9  }
0x27: {  	s1 =	sld [smem:$0x3FAD]  }
0x28: {  	s2 =	sld [smem:$0x3FAE]  }
0x29: {  	s4 =	sld [smem:$0x3FB0]  }
0x2a: {  	p0 =	seq.s32 s5, $0x0;
	s5 =	sld [smem:$0x3FB1]  }
0x2b: {  	s6 =	sld [smem:$0x3FB2]  }
0x2c: {  	s7 =	sld [smem:$0x3FB3]  }
0x2d: {  	s3 =	simm.s32 $0x108;
	s8 =	sld [smem:$0x3FB4]  }
0x2e: {  	s3 =	simm.s32 @!p0 $0x1082;
	s9 =	sld [smem:$0x3FB5]  }
0x2f: {  	lr =	sadd.s32 s0, s3;
	s0 =	sld [smem:$0x3FAC]  }
0x30: {  	s3 =	sld [smem:$0x3FAF]  }
0x31: {  	[smem:$0x3FB8] =	sst s10  }
0x32: {  	s10 =	sld [smem:$0x3FB6];
	_ =	sdelay $0x3  }
0x33: {  	p0 =	seq.s32 s10, $0x1;
	s10 =	sld [smem:$0x3FB8];
	_ =	sdelay $0x3  }
0x34: {  	[smem:$0x3FB8] =	sst s10  }
0x35: {  	s10 =	sld [smem:$0x3FB7];
	_ =	sdelay $0x3  }
0x36: {  	p1 =	seq.s32 s10, $0x1;
	s10 =	sld [smem:$0x3FB8];
	_ =	sdelay $0x3  }
0x37: {  	[smem:$0x3FB8] =	sst s10  }
0x38: {  	s10 =	sld [smem:$0x3FB9]  }
0x39: {  	_ = 	snop;
	(pc) =	sbr.ind lr, $3  }
0x3a: {  	_ = 	snop  }
0x3b: {  	_ = 	snop  }
0x3c: {  	p2 =	seq.s32 s10, $0x1;
	s10 =	sld [smem:$0x3FB8]  }
0x3d: {  	_ =	shalt  }
0x3e: {  	_ =	shalt  }
0x3f: {  	_ =	shalt  }
0x40: {  	_ =	shalt  }
0x41: {  	_ =	shalt  }
0x42: {  	_ =	shalt  }
0x43: {  	_ =	shalt  }
0x44: {  	_ =	shalt  }
0x45: {  	_ =	shalt  }
0x46: {  	_ =	shalt  }
0x47: {  	_ =	shalt  }
0x48: {  	_ =	shalt  }
0x49: {  	_ =	shalt  }
0x4a: {  	_ =	shalt  }
0x4b: {  	_ =	shalt  }
0x4c: {  	_ =	shalt  }
0x4d: {  	_ =	shalt  }
0x4e: {  	_ =	shalt  }
0x4f: {  	_ =	shalt  }
0x50: {  	_ =	shalt  }
0x51: {  	_ =	shalt  }
0x52: {  	_ =	shalt  }
0x53: {  	_ =	shalt  }
0x54: {  	_ =	shalt  }
0x55: {  	_ =	shalt  }
0x56: {  	_ =	shalt  }
0x57: {  	_ =	shalt  }
0x58: {  	_ =	shalt  }
0x59: {  	_ =	shalt  }
0x5a: {  	_ =	shalt  }
0x5b: {  	_ =	shalt  }
0x5c: {  	_ =	shalt  }
0x5d: {  	_ =	shalt  }
0x5e: {  	_ =	shalt  }
0x5f: {  	_ =	shalt  }
0x60: {  	_ =	shalt  }
0x61: {  	_ =	shalt  }
0x62: {  	_ =	shalt  }
0x63: {  	_ =	shalt  }
0x64: {  	_ =	shalt  }
0x65: {  	_ =	shalt  }
0x66: {  	_ =	shalt  }
0x67: {  	_ =	shalt  }
0x68: {  	_ =	shalt  }
0x69: {  	_ =	shalt  }
0x6a: {  	_ =	shalt  }
0x6b: {  	_ =	shalt  }
0x6c: {  	_ =	shalt  }
0x6d: {  	_ =	shalt  }
0x6e: {  	_ =	shalt  }
0x6f: {  	_ =	shalt  }
0x70: {  	_ =	shalt  }
0x71: {  	_ =	shalt  }
0x72: {  	_ =	shalt  }
0x73: {  	_ =	shalt  }
0x74: {  	_ =	shalt  }
0x75: {  	_ =	shalt  }
0x76: {  	_ =	shalt  }
0x77: {  	_ =	shalt  }
0x78: {  	_ =	shalt  }
0x79: {  	_ =	shalt  }
0x7a: {  	_ =	shalt  }
0x7b: {  	_ =	shalt  }
0x7c: {  	_ =	shalt  }
0x7d: {  	_ =	shalt  }
0x7e: {  	_ =	shalt  }
0x7f: {  	_ =	shalt  }
0x80: {  	_ =	shalt  }
0x81: {  	_ =	shalt  }
0x82: {  	_ =	shalt  }
0x83: {  	_ =	shalt  }
0x84: {  	_ =	shalt  }
0x85: {  	_ =	shalt  }
0x86: {  	_ =	shalt  }
0x87: {  	_ =	shalt  }
.Lfunc_end0:
.L_simem_size_0:
called_computation_lowered:
.L_overlay_start_0:
0x88: {  	s2 =	sld [smem:$0x3FD9]  }
0x89: {  	s3 =	sld [smem:$0x3FFE];
	_ =	sdelay $0x1  }
0x8a: {  	s1 =	srdreg.scid  }
0x8b: {  	s0 =	sand.u32 $0x1, s1  }
0x8c: {  	s17 =	sshll.u32 s0, $0xA;
	s2 =	sadd.s32 s3, s2  }
0x8d: {  	s2 =	sadd.s32 s2, s17  }
0x8e: {  	[smem:$0x3FC4] =	sst s2  }
0x8f: {  	_ = 	snop  }
0x90: {  	s2 =	sld [smem:$0x3FC9]  }
0x91: {  	s18 =	sld [smem:$0x3FD0];
	(tm) =	ssettm $0x1  }
0x92: {  	s4 =	sld [smem:$0x3FFB];
	_ =	sdelay $0x3  }
0x93: {  	_ =	strace s4  }
0x94: {  	s4 =	sld [smem:$0x3FFC];
	_ =	sdelay $0x3  }
0x95: {  	_ =	strace s4  }
0x96: {  	s4 =	sld [smem:$0x3FFD];
	_ =	sdelay $0x3  }
0x97: {  	_ =	strace s4  }
0x98: {  	_ =	strace $0x8FFFFFFF  }
0x99: {  	s19 =	sld [smem:$0x3FDB];
	_ =	sdelay $0x1  }
0x9a: {  	s5 =	simm.s32 $_scs_section_size  }
0x9b: {  	s6 =	simm.s32 $_size__tile_overlayer_lowered;
	s7 =	simm.s32 $_tile_overlayer_lowered  }
0x9c: {  	s22 =	simm.s32 $0x1BFF;
	s21 =	sshll.u32 s7, $0x1;
	s4 =	sadd.s32 s5, s19  }
0x9d: {  	s8 =	simm.s32 $0x0;
	s20 =	sshll.u32 s6, $0x1;
	s6 =	sadd.s32 s21, s4  }
0x9e: {  	[timem:s8], [sflag:s22] =	dma.local [hbm:s6], s20  }
0x9f: {  	_ =	swait.ge [sflag:s22], s20  }
0xa0: {  	s5 =	ssub.s32 $0x0, s20;
	[sflag:s22] =	ssyncset.done $0x0  }
0xa1: {  	[sflag:s22] =	ssyncadd.s32 s5;
	_ =	sdelay $0x1  }
0xa2: {  	s23 =	simm.s32 $0x1B8B  }
0xa3: {  	_ =	swait.ge [sflag:s23], $0x1  }
0xa4: {  	[sflag:s23] =	ssyncset.done $0x0  }
0xa5: {  	s25 =	simm.s32 $0x1B8E;
	s24 =	sld [smem:$0x3FFE];
	[sflag:s23] =	ssyncadd.s32 $0xFFFFFFFF  }
0xa6: {  	s26 =	simm.s32 $execute0_lowered;
	[smem:$0x3FD2] =	sst s25  }
0xa7: {  	s6 =	sshll.u32 s26, $0x1;
	_ =	strace $0x80000046;
	[dreg:$0x1] =	wrdreg $0xFFFFFFFF  }
0xa8: {  	s28 =	simm.s32 $_size_execute0_lowered;
	s4 =	sadd.s32 s4, s6;
	[dreg:$0x0] =	wrdreg $0x0  }
0xa9: {  	s6 =	sshll.u32 s28, $0x1;
	[dreg:$0x2] =	wrdreg s4  }
0xaa: {  	[dreg:$0x3] =	wrdreg s6  }
0xab: {  	[dreg:$0x4] =	wrdreg $0xC0  }
0xac: {  	_ =	task [dreg:s8], $0x5FFFF  }
0xad: {  	[dreg:$0x1] =	wrdreg $0xFFFFFFFF  }
0xae: {  	[dreg:$0x0] =	wrdreg $0x60  }
0xaf: {  	[dreg:$0x2] =	wrdreg s18  }
0xb0: {  	[dreg:$0x3] =	wrdreg s24  }
0xb1: {  	[dreg:$0x4] =	wrdreg s2  }
0xb2: {  	[dreg:$0x5] =	wrdreg $0xB8000  }
0xb3: {  	[dreg:$0x6] =	wrdreg $0x9  }
0xb4: {  	_ =	task.clear_ibuf [dreg:s8], $0x7FFFF;
	_ =	strace $0x90000046  }
0xb5: {  	s29 =	simm.s32 $0x9;
	_ =	strace $0x80000048  }
0xb6: {  	_ =	swait.ge [sflag:s29], $0x1  }
0xb7: {  	[sflag:s29] =	ssyncadd.s32 $0xFFFFFFFF  }
0xb8: {  	_ =	strace $0x90000048  }
0xb9: {  	_ =	sfence  }
0xba: {  	s30 =	sld [smem:$0x0];
	_ =	sdelay $0x2  }
0xbb: {  	s31 =	sshll.u32 s1, $0xD;
	s1 =	sshrl.u32 s1, $0x2  }
0xbc: {  	s3 =	sand.u32 $0x4000, s31;
	s1 =	sadd.s32 s1, s30  }
0xbd: {  	s0 =	sor.u32 s3, s0;
	s1 =	sshll.u32 s1, $0x11  }
0xbe: {  	s0 =	sor.u32 s1, s0  }
0xbf: {  	s0 =	sadd.s32 $0x8F2B, s0  }
0xc0: {  	[sflag:s0] =	ssyncadd.remote.s32 $0x1  }
0xc1: {  	_ =	sfence.sel $0xFFFF  }
0xc2: {  	[dreg:$0x0] =	wrdreg $0xFFFFFFFF;
	(pc) =	sbr.abs _section_cstart, $3  }
0xc3: {  	[dreg:$0x1] =	wrdreg $0xFFFFFFFF  }
0xc4: {  	_ =	task.clear_ibuf [dreg:s8], $0x2FFFF;
	_ =	strace $0x9FFFFFFF  }
0xc5: {  	(tm) =	ssettm $0x7FFFFFFF  }
tec
execute0_lowered:
.L_overlay_start_1:
0x0: {  	(tag) =	ssettag $0x1  }
0x1: {  	s5 =	rddreg [dreg:$0x0]  }
0x2: {  	s6 =	rddreg [dreg:$0x1]  }
0x3: {  	s1 =	rddreg [dreg:$0x2]  }
0x4: {  	s3 =	rddreg [dreg:$0x3]  }
0x5: {  	s2 =	srdreg.scid;
	s0 =	rddreg [dreg:$0x4]  }
0x6: {  	s4 =	simm.s32 $0x0;
	s15 =	simm.s32 $0x2;
	s16 =	simm.s32 $0x2800  }
0x7: {  	s17 =	simm.s32 $0x5000;
	s18 =	simm.s32 $0x7800;
	s19 =	simm.s32 $0x80  }
0x8: {  	s20 =	simm.s32 $0x1;
	s7 =	sand.u32 $0x1, s2;
	s2 =	stileid.u32  }
0x9: {  	s23 =	simm.s32 $0x0;
	[smem:$0x7FF] =	sst s4;
	s9 =	smul.u32 $0x13C000, s7  }
0xa: {  	s8 =	sshll.u32 s7, $0x4;
	s10 =	smul.u32 $0x13C00, s2;
	_ =	strace $0x80000047  }
0xb: {  	s29 =	smul.u32 $0x4F000, s2;
	s7 =	ssub.s32 $0x2, s7;
	s21 =	sshll.u32 s2, $0x6  }
0xc: {  	s8 =	sor.u32 s2, s8;
	s30 =	sshrl.u32 s7, $0x1;
	s21 =	sor.u32 $0x1C02, s21  }
0xd: {  	s8 =	smul.u32 $0x500, s8;
	s9 =	sadd.s32 s10, s9;
	s14 =	ssub.s32 s7, s30  }
0xe: {  	s31 =	sshrl.u32 s29, $0x2;
	s9 =	sshrl.u32 s9, $0x3;
	s14 =	smax.u32 s14, $0x1  }
0xf: {  	s11 =	sadd.s32 s8, s6;
	s13 =	sadd.s32 s9, s6;
	s5 =	sadd.s32 s5, s8  }
0x10: {  	s6 =	sadd.s32 s31, s3;
	s7 =	sadd.s32 $0xA200, s11;
	s8 =	sadd.s32 $0x200, s11  }
0x11: {  	s9 =	sadd.s32 $0x4000, s6;
	s10 =	sadd.s32 $0x8000, s6;
	s11 =	sadd.s32 $0xC000, s6  }
0x12: {  	v0 =	vimm.f32 $0.0e+00;
	s12 =	sadd.s32 $0x10000, s6;
	s13 =	sadd.s32 $0x14200, s13;
	s22 =	sshrl.u32 s6, $0x3  }
.LBB2_1:
0x13: {  	[tilespmem:s4], [sflag:$0x2] =	stream.linear.gather [hbm4b:s5+s4], $0x2780, $0x38;
	[tilespmem:$0x1F400] =	vst v63  }
0x14: {  	_ =	swait.ge [sflag:s15], $0x2780  }
0x15: {  	[sflag:s15] =	ssyncset.done $0x0  }
0x16: {  	[sflag:s15] =	ssyncadd.s32 $0xFFFFD880  }
0x17: {  	[tilespmem:s16], [sflag:$0x2] =	stream.linear.gather [hbm4b:s7+s4], $0x2780, $0x38;
	[tilespmem:$0x1F400] =	vst v63  }
0x18: {  	_ =	swait.ge [sflag:s15], $0x2780  }
0x19: {  	[sflag:s15] =	ssyncset.done $0x0  }
0x1a: {  	[sflag:s15] =	ssyncadd.s32 $0xFFFFD880  }
0x1b: {  	[tilespmem:s17], [sflag:$0x2] =	stream.linear.gather [hbm4b:s8+s4], $0x2780, $0x38;
	[tilespmem:$0x1F400] =	vst v63  }
0x1c: {  	_ =	swait.ge [sflag:s15], $0x2780  }
0x1d: {  	[sflag:s15] =	ssyncset.done $0x0  }
0x1e: {  	s24 =	simm.s32 $0x0;
	s25 =	simm.s32 $0x200;
	[sflag:s15] =	ssyncadd.s32 $0xFFFFD880  }
.LBB2_2:
0x1f: {  	p0 =	sne.s32 s25, $0xFE00;
	[tilespmem:s24+$0x7870] =	vst v0  }
0x20: {  	[tilespmem:s24+$0x7800] =	vst v0  }
0x21: {  	[tilespmem:s24+$0x7810] =	vst v0  }
.Ltmp0:
0x22: {  	[tilespmem:s24+$0x7820] =	vst v0;
	(pc) =	sbr.rel @p0 .LBB2_2-.Ltmp0, $4  }
0x23: {  	[tilespmem:s24+$0x7830] =	vst v0  }
0x24: {  	[tilespmem:s24+$0x7840] =	vst v0  }
0x25: {  	[tilespmem:s24+$0x7850] =	vst v0  }
0x26: {  	[tilespmem:s24+$0x7860] =	vst v0;
	s24 =	sshra.s32 s25, $0x2;
	s25 =	sadd.s32 $0x200, s25  }
0x27: {  	[tilespmem:s24+$0x7870] =	vst v0  }
0x28: {  	[tilespmem:s24+$0x7800] =	vst v0  }
0x29: {  	[tilespmem:s24+$0x7810] =	vst v0  }
0x2a: {  	[tilespmem:s24+$0x7820] =	vst v0  }
0x2b: {  	[tilespmem:s24+$0x7830] =	vst v0  }
0x2c: {  	[tilespmem:s24+$0x7840] =	vst v0  }
0x2d: {  	[tilespmem:s24+$0x7850] =	vst v0  }
0x2e: {  	[tilespmem:s24+$0x7860] =	vst v0  }
0x2f: {  	[spmem:s6] =	stream.linear.scatter [tilespmem:s18], [sflag:$0x2], $0x4000, $0x38;
	[tilespmem:$0x1F400] =	vst v63  }
0x30: {  	_ =	swait.ge [sflag:s15], $0x4000  }
0x31: {  	[sflag:s15] =	ssyncset.done $0x0  }
0x32: {  	[sflag:s15] =	ssyncadd.s32 $0xFFFFC000  }
0x33: {  	[spmem:s9] =	stream.linear.scatter [tilespmem:s18], [sflag:$0x2], $0x4000, $0x38;
	[tilespmem:$0x1F400] =	vst v63  }
0x34: {  	_ =	swait.ge [sflag:s15], $0x4000  }
0x35: {  	[sflag:s15] =	ssyncset.done $0x0  }
0x36: {  	[sflag:s15] =	ssyncadd.s32 $0xFFFFC000  }
0x37: {  	[spmem:s10] =	stream.linear.scatter [tilespmem:s18], [sflag:$0x2], $0x4000, $0x38;
	[tilespmem:$0x1F400] =	vst v63  }
0x38: {  	_ =	swait.ge [sflag:s15], $0x4000  }
0x39: {  	[sflag:s15] =	ssyncset.done $0x0  }
0x3a: {  	[sflag:s15] =	ssyncadd.s32 $0xFFFFC000  }
0x3b: {  	[spmem:s11] =	stream.linear.scatter [tilespmem:s18], [sflag:$0x2], $0x4000, $0x38;
	[tilespmem:$0x1F400] =	vst v63  }
0x3c: {  	_ =	swait.ge [sflag:s15], $0x4000  }
0x3d: {  	[sflag:s15] =	ssyncset.done $0x0  }
0x3e: {  	[sflag:s15] =	ssyncadd.s32 $0xFFFFC000  }
0x3f: {  	[spmem:s12] =	stream.linear.scatter [tilespmem:s18], [sflag:$0x2], $0x3C00, $0x38;
	[tilespmem:$0x1F400] =	vst v63  }
0x40: {  	_ =	swait.ge [sflag:s15], $0x3C00  }
0x41: {  	[sflag:s15] =	ssyncset.done $0x0  }
0x42: {  	[sflag:s15] =	ssyncadd.s32 $0xFFFFC400  }
0x43: {  	s24 =	simm.s32 $0x0;
	[bflag:$0x0] =	sbarrier.arrive $0xFFFF  }
.LBB2_4:
0x44: {  	s25 =	sshll.u32 s24, $0x7  }
0x45: {  	s26 =	sadd.s32 $0x2800, s25;
	s31 =	sadd.s32 $0x5000, s25  }
0x46: {  	[tilespmem:s18], [sflag:$0x1] =	stream.indirect.gather [hbm4b:s1+s19], $0x80, s26, s19, $0xb8;
	[tilespmem:$0x1F400] =	vst v63  }
0x47: {  	v1 =	vmov s31;
	_ =	swait.ge [sflag:s20], $0x4000  }
0x48: {  	[sflag:s20] =	ssyncset.done $0x0  }
0x49: {  	s26 =	simm.s32 $0x0;
	[sflag:s20] =	ssyncadd.s32 $0xFFFFC000  }
.LBB2_5:
0x4a: {  	s28 =	sshll.u32 s26, $0x4  }
0x4b: {  	s28 =	sand.u32 $0x3FFFFFF0, s28  }
0x4c: {  	s31 =	sshll.u32 s26, $0xB;
	v2 =	vld.idx.msk [tilespmem:v1+s28+$0x0 ss:$0x1], $0xffff  }
0x4d: {  	s28 =	sand.u32 $0x3FFFF800, s31  }
0x4e: {  	v3 =	vld [tilespmem:s28+$0x7800]  }
0x4f: {  	v4 =	vld [tilespmem:s28+$0x7810]  }
0x50: {  	v5 =	vld [tilespmem:s28+$0x7820]  }
0x51: {  	v7 =	vld [tilespmem:s28+$0x7830];
	v6 =	vbroadcast v2, $0x0  }
0x52: {  	v8 =	vld [tilespmem:s28+$0x7840]  }
0x53: {  	v9 =	vld [tilespmem:s28+$0x7850];
	v3 =	vmul.f32 v6, v3  }
0x54: {  	v10 =	vld [tilespmem:s28+$0x7860];
	v4 =	vmul.f32 v4, v6  }
0x55: {  	v24 =	vld [tilespmem:s28+$0x7870];
	[tilespmem:s28+$0x7800] =	vst v3;
	v3 =	vmul.f32 v5, v6  }
0x56: {  	v26 =	vld [tilespmem:s28+$0x7880];
	v25 =	vmul.f32 v7, v6;
	[tilespmem:s28+$0x7810] =	vst v4  }
0x57: {  	v27 =	vld [tilespmem:s28+$0x7890];
	[tilespmem:s28+$0x7820] =	vst v3;
	v3 =	vmul.f32 v8, v6  }
0x58: {  	v29 =	vld [tilespmem:s28+$0x78A0];
	v28 =	vmul.f32 v9, v6;
	[tilespmem:s28+$0x7830] =	vst v25  }
0x59: {  	v11 =	vld [tilespmem:s28+$0x78B0];
	v30 =	vbroadcast v2, $0x1;
	[tilespmem:s28+$0x7840] =	vst v3;
	v3 =	vmul.f32 v10, v6  }
0x5a: {  	v32 =	vld [tilespmem:s28+$0x78C0];
	v31 =	vmul.f32 v24, v6;
	[tilespmem:s28+$0x7850] =	vst v28  }
0x5b: {  	v33 =	vld [tilespmem:s28+$0x78D0];
	[tilespmem:s28+$0x7860] =	vst v3;
	v3 =	vmul.f32 v26, v30  }
0x5c: {  	v35 =	vld [tilespmem:s28+$0x78E0];
	v34 =	vmul.f32 v27, v30;
	[tilespmem:s28+$0x7870] =	vst v31  }
0x5d: {  	v36 =	vld [tilespmem:s28+$0x78F0];
	[tilespmem:s28+$0x7880] =	vst v3;
	v3 =	vmul.f32 v29, v30  }
0x5e: {  	v38 =	vld [tilespmem:s28+$0x7900];
	v37 =	vmul.f32 v11, v30;
	[tilespmem:s28+$0x7890] =	vst v34  }
0x5f: {  	v39 =	vld [tilespmem:s28+$0x7910];
	[tilespmem:s28+$0x78A0] =	vst v3;
	v3 =	vmul.f32 v32, v30  }
0x60: {  	v41 =	vld [tilespmem:s28+$0x7920];
	v40 =	vmul.f32 v33, v30;
	[tilespmem:s28+$0x78B0] =	vst v37  }
0x61: {  	v43 =	vld [tilespmem:s28+$0x7930];
	v42 =	vbroadcast v2, $0x2;
	[tilespmem:s28+$0x78C0] =	vst v3;
	v3 =	vmul.f32 v35, v30  }
0x62: {  	v45 =	vld [tilespmem:s28+$0x7940];
	v44 =	vmul.f32 v36, v30;
	[tilespmem:s28+$0x78D0] =	vst v40  }
0x63: {  	v46 =	vld [tilespmem:s28+$0x7950];
	[tilespmem:s28+$0x78E0] =	vst v3;
	v3 =	vmul.f32 v38, v42  }
0x64: {  	v48 =	vld [tilespmem:s28+$0x7960];
	v47 =	vmul.f32 v39, v42;
	[tilespmem:s28+$0x78F0] =	vst v44  }
0x65: {  	v49 =	vld [tilespmem:s28+$0x7970];
	[tilespmem:s28+$0x7900] =	vst v3;
	v3 =	vmul.f32 v41, v42  }
0x66: {  	v51 =	vld [tilespmem:s28+$0x7980];
	v50 =	vmul.f32 v43, v42;
	[tilespmem:s28+$0x7910] =	vst v47  }
0x67: {  	v52 =	vld [tilespmem:s28+$0x7990];
	[tilespmem:s28+$0x7920] =	vst v3;
	v3 =	vmul.f32 v45, v42  }
0x68: {  	v54 =	vld [tilespmem:s28+$0x79A0];
	v53 =	vmul.f32 v46, v42;
	[tilespmem:s28+$0x7930] =	vst v50  }
0x69: {  	v56 =	vld [tilespmem:s28+$0x79B0];
	v55 =	vbroadcast v2, $0x3;
	[tilespmem:s28+$0x7940] =	vst v3;
	v3 =	vmul.f32 v48, v42  }
0x6a: {  	v58 =	vld [tilespmem:s28+$0x79C0];
	v57 =	vmul.f32 v49, v42;
	[tilespmem:s28+$0x7950] =	vst v53  }
0x6b: {  	v59 =	vld [tilespmem:s28+$0x79D0];
	[tilespmem:s28+$0x7960] =	vst v3;
	v3 =	vmul.f32 v51, v55  }
0x6c: {  	v61 =	vld [tilespmem:s28+$0x79E0];
	v60 =	vmul.f32 v52, v55;
	[tilespmem:s28+$0x7970] =	vst v57  }
0x6d: {  	v62 =	vld [tilespmem:s28+$0x79F0];
	[tilespmem:s28+$0x7980] =	vst v3;
	v3 =	vmul.f32 v54, v55  }
0x6e: {  	v12 =	vld [tilespmem:s28+$0x7A00];
	v63 =	vmul.f32 v56, v55;
	[tilespmem:s28+$0x7990] =	vst v60  }
0x6f: {  	v13 =	vld [tilespmem:s28+$0x7A10];
	[tilespmem:s28+$0x79A0] =	vst v3;
	v3 =	vmul.f32 v58, v55  }
0x70: {  	v15 =	vld [tilespmem:s28+$0x7A20];
	v14 =	vmul.f32 v59, v55;
	[tilespmem:s28+$0x79B0] =	vst v63  }
0x71: {  	v17 =	vld [tilespmem:s28+$0x7A30];
	v16 =	vbroadcast v2, $0x4;
	[tilespmem:s28+$0x79C0] =	vst v3;
	v3 =	vmul.f32 v61, v55  }
0x72: {  	v19 =	vld [tilespmem:s28+$0x7A40];
	v18 =	vmul.f32 v62, v55;
	[tilespmem:s28+$0x79D0] =	vst v14  }
0x73: {  	v20 =	vld [tilespmem:s28+$0x7A50];
	[tilespmem:s28+$0x79E0] =	vst v3;
	v3 =	vmul.f32 v12, v16  }
0x74: {  	v22 =	vld [tilespmem:s28+$0x7A60];
	v21 =	vmul.f32 v13, v16;
	[tilespmem:s28+$0x79F0] =	vst v18  }
0x75: {  	v23 =	vld [tilespmem:s28+$0x7A70];
	[tilespmem:s28+$0x7A00] =	vst v3;
	v3 =	vmul.f32 v15, v16  }
0x76: {  	v24 =	vmul.f32 v17, v16;
	[tilespmem:s28+$0x7A10] =	vst v21;
	v25 =	vld [tilespmem:s28+$0x7A80]  }
0x77: {  	v33 =	vld [tilespmem:s28+$0x7AD0];
	[tilespmem:s28+$0x7A20] =	vst v3;
	v3 =	vmul.f32 v19, v16  }
0x78: {  	v27 =	vmul.f32 v20, v16;
	[tilespmem:s28+$0x7A30] =	vst v24;
	v28 =	vld [tilespmem:s28+$0x7AA0]  }
0x79: {  	v36 =	vld [tilespmem:s28+$0x7AF0];
	v29 =	vbroadcast v2, $0x5;
	[tilespmem:s28+$0x7A40] =	vst v3;
	v3 =	vmul.f32 v22, v16  }
0x7a: {  	[tilespmem:s28+$0x7A50] =	vst v27;
	v31 =	vmul.f32 v23, v16;
	v32 =	vld [tilespmem:s28+$0x7AC0]  }
0x7b: {  	v26 =	vld [tilespmem:s28+$0x7A90];
	[tilespmem:s28+$0x7A60] =	vst v3;
	v3 =	vmul.f32 v25, v29  }
0x7c: {  	[tilespmem:s28+$0x7A70] =	vst v31;
	v40 =	vmul.f32 v33, v29;
	v35 =	vld [tilespmem:s28+$0x7AE0]  }
0x7d: {  	v30 =	vld [tilespmem:s28+$0x7AB0];
	[tilespmem:s28+$0x7A80] =	vst v3;
	v3 =	vmul.f32 v28, v29  }
0x7e: {  	v44 =	vmul.f32 v36, v29;
	[tilespmem:s28+$0x7AD0] =	vst v40;
	v38 =	vld [tilespmem:s28+$0x7B00]  }
0x7f: {  	v39 =	vld [tilespmem:s28+$0x7B10];
	[tilespmem:s28+$0x7AA0] =	vst v3;
	v3 =	vmul.f32 v32, v29  }
0x80: {  	v34 =	vmul.f32 v26, v29;
	[tilespmem:s28+$0x7AF0] =	vst v44;
	v41 =	vld [tilespmem:s28+$0x7B20]  }
0x81: {  	v43 =	vld [tilespmem:s28+$0x7B30];
	v42 =	vbroadcast v2, $0x6;
	[tilespmem:s28+$0x7AC0] =	vst v3;
	v3 =	vmul.f32 v35, v29  }
0x82: {  	[tilespmem:s28+$0x7A90] =	vst v34;
	v37 =	vmul.f32 v30, v29;
	v45 =	vld [tilespmem:s28+$0x7B40]  }
0x83: {  	v46 =	vld [tilespmem:s28+$0x7B50];
	[tilespmem:s28+$0x7AE0] =	vst v3;
	v3 =	vmul.f32 v38, v42  }
0x84: {  	[tilespmem:s28+$0x7AB0] =	vst v37;
	v48 =	vld [tilespmem:s28+$0x7B60];
	v47 =	vmul.f32 v39, v42  }
0x85: {  	v49 =	vld [tilespmem:s28+$0x7B70];
	[tilespmem:s28+$0x7B00] =	vst v3;
	v3 =	vmul.f32 v41, v42  }
0x86: {  	v50 =	vmul.f32 v43, v42;
	v51 =	vld [tilespmem:s28+$0x7B80];
	[tilespmem:s28+$0x7B10] =	vst v47  }
0x87: {  	v52 =	vld [tilespmem:s28+$0x7B90];
	[tilespmem:s28+$0x7B20] =	vst v3;
	v3 =	vmul.f32 v45, v42  }
0x88: {  	v53 =	vmul.f32 v46, v42;
	[tilespmem:s28+$0x7B30] =	vst v50;
	v54 =	vld [tilespmem:s28+$0x7BA0]  }
0x89: {  	v56 =	vld [tilespmem:s28+$0x7BB0];
	v55 =	vbroadcast v2, $0x7;
	[tilespmem:s28+$0x7B40] =	vst v3;
	v3 =	vmul.f32 v48, v42  }
0x8a: {  	v57 =	vmul.f32 v49, v42;
	[tilespmem:s28+$0x7B50] =	vst v53;
	v58 =	vld [tilespmem:s28+$0x7BC0]  }
0x8b: {  	v59 =	vld [tilespmem:s28+$0x7BD0];
	[tilespmem:s28+$0x7B60] =	vst v3;
	v3 =	vmul.f32 v51, v55  }
0x8c: {  	[tilespmem:s28+$0x7B70] =	vst v57;
	v61 =	vld [tilespmem:s28+$0x7BE0];
	v60 =	vmul.f32 v52, v55  }
0x8d: {  	v62 =	vld [tilespmem:s28+$0x7BF0];
	[tilespmem:s28+$0x7B80] =	vst v3;
	v3 =	vmul.f32 v54, v55  }
0x8e: {  	v63 =	vmul.f32 v56, v55;
	v12 =	vld [tilespmem:s28+$0x7C00];
	[tilespmem:s28+$0x7B90] =	vst v60  }
0x8f: {  	v13 =	vld [tilespmem:s28+$0x7C10];
	[tilespmem:s28+$0x7BA0] =	vst v3;
	v3 =	vmul.f32 v58, v55  }
0x90: {  	v14 =	vmul.f32 v59, v55;
	[tilespmem:s28+$0x7BB0] =	vst v63;
	v15 =	vld [tilespmem:s28+$0x7C20]  }
0x91: {  	v17 =	vld [tilespmem:s28+$0x7C30];
	v16 =	vbroadcast v2, $0x8;
	[tilespmem:s28+$0x7BC0] =	vst v3;
	v3 =	vmul.f32 v61, v55  }
0x92: {  	v18 =	vmul.f32 v62, v55;
	[tilespmem:s28+$0x7BD0] =	vst v14;
	v19 =	vld [tilespmem:s28+$0x7C40]  }
0x93: {  	v20 =	vld [tilespmem:s28+$0x7C50];
	[tilespmem:s28+$0x7BE0] =	vst v3;
	v3 =	vmul.f32 v12, v16  }
0x94: {  	[tilespmem:s28+$0x7BF0] =	vst v18;
	v22 =	vld [tilespmem:s28+$0x7C60];
	v21 =	vmul.f32 v13, v16  }
0x95: {  	v23 =	vld [tilespmem:s28+$0x7C70];
	[tilespmem:s28+$0x7C00] =	vst v3;
	v3 =	vmul.f32 v15, v16  }
0x96: {  	v24 =	vmul.f32 v17, v16;
	v25 =	vld [tilespmem:s28+$0x7C80];
	[tilespmem:s28+$0x7C10] =	vst v21  }
0x97: {  	v26 =	vld [tilespmem:s28+$0x7C90];
	[tilespmem:s28+$0x7C20] =	vst v3;
	v3 =	vmul.f32 v19, v16  }
0x98: {  	v27 =	vmul.f32 v20, v16;
	[tilespmem:s28+$0x7C30] =	vst v24;
	v28 =	vld [tilespmem:s28+$0x7CA0]  }
0x99: {  	v30 =	vld [tilespmem:s28+$0x7CB0];
	v29 =	vbroadcast v2, $0x9;
	[tilespmem:s28+$0x7C40] =	vst v3;
	v3 =	vmul.f32 v22, v16  }
0x9a: {  	v31 =	vmul.f32 v23, v16;
	[tilespmem:s28+$0x7C50] =	vst v27;
	v32 =	vld [tilespmem:s28+$0x7CC0]  }
0x9b: {  	v33 =	vld [tilespmem:s28+$0x7CD0];
	[tilespmem:s28+$0x7C60] =	vst v3;
	v3 =	vmul.f32 v25, v29  }
0x9c: {  	[tilespmem:s28+$0x7C70] =	vst v31;
	v35 =	vld [tilespmem:s28+$0x7CE0];
	v34 =	vmul.f32 v26, v29  }
0x9d: {  	v36 =	vld [tilespmem:s28+$0x7CF0];
	[tilespmem:s28+$0x7C80] =	vst v3;
	v3 =	vmul.f32 v28, v29  }
0x9e: {  	v37 =	vmul.f32 v30, v29;
	v38 =	vld [tilespmem:s28+$0x7D00];
	[tilespmem:s28+$0x7C90] =	vst v34  }
0x9f: {  	v39 =	vld [tilespmem:s28+$0x7D10];
	[tilespmem:s28+$0x7CA0] =	vst v3;
	v3 =	vmul.f32 v32, v29  }
0xa0: {  	v40 =	vmul.f32 v33, v29;
	[tilespmem:s28+$0x7CB0] =	vst v37;
	v41 =	vld [tilespmem:s28+$0x7D20]  }
0xa1: {  	v43 =	vld [tilespmem:s28+$0x7D30];
	v42 =	vbroadcast v2, $0xA;
	[tilespmem:s28+$0x7CC0] =	vst v3;
	v3 =	vmul.f32 v35, v29  }
0xa2: {  	v44 =	vmul.f32 v36, v29;
	[tilespmem:s28+$0x7CD0] =	vst v40;
	v45 =	vld [tilespmem:s28+$0x7D40]  }
0xa3: {  	v46 =	vld [tilespmem:s28+$0x7D50];
	[tilespmem:s28+$0x7CE0] =	vst v3;
	v3 =	vmul.f32 v38, v42  }
0xa4: {  	[tilespmem:s28+$0x7CF0] =	vst v44;
	v48 =	vld [tilespmem:s28+$0x7D60];
	v47 =	vmul.f32 v39, v42  }
0xa5: {  	v49 =	vld [tilespmem:s28+$0x7D70];
	[tilespmem:s28+$0x7D00] =	vst v3;
	v3 =	vmul.f32 v41, v42  }
0xa6: {  	v50 =	vmul.f32 v43, v42;
	v51 =	vld [tilespmem:s28+$0x7D80];
	[tilespmem:s28+$0x7D10] =	vst v47  }
0xa7: {  	v52 =	vld [tilespmem:s28+$0x7D90];
	[tilespmem:s28+$0x7D20] =	vst v3;
	v3 =	vmul.f32 v45, v42  }
0xa8: {  	v53 =	vmul.f32 v46, v42;
	[tilespmem:s28+$0x7D30] =	vst v50;
	v54 =	vld [tilespmem:s28+$0x7DA0]  }
0xa9: {  	v56 =	vld [tilespmem:s28+$0x7DB0];
	v55 =	vbroadcast v2, $0xB;
	[tilespmem:s28+$0x7D40] =	vst v3;
	v3 =	vmul.f32 v48, v42  }
0xaa: {  	v57 =	vmul.f32 v49, v42;
	[tilespmem:s28+$0x7D50] =	vst v53;
	v58 =	vld [tilespmem:s28+$0x7DC0]  }
0xab: {  	v59 =	vld [tilespmem:s28+$0x7DD0];
	[tilespmem:s28+$0x7D60] =	vst v3;
	v3 =	vmul.f32 v51, v55  }
0xac: {  	[tilespmem:s28+$0x7D70] =	vst v57;
	v61 =	vld [tilespmem:s28+$0x7DE0];
	v60 =	vmul.f32 v52, v55  }
0xad: {  	v62 =	vld [tilespmem:s28+$0x7DF0];
	[tilespmem:s28+$0x7D80] =	vst v3;
	v3 =	vmul.f32 v54, v55  }
0xae: {  	v63 =	vmul.f32 v56, v55;
	v12 =	vld [tilespmem:s28+$0x7E00];
	[tilespmem:s28+$0x7D90] =	vst v60  }
0xaf: {  	v13 =	vld [tilespmem:s28+$0x7E10];
	[tilespmem:s28+$0x7DA0] =	vst v3;
	v3 =	vmul.f32 v58, v55  }
0xb0: {  	v14 =	vmul.f32 v59, v55;
	[tilespmem:s28+$0x7DB0] =	vst v63;
	v15 =	vld [tilespmem:s28+$0x7E20]  }
0xb1: {  	v17 =	vld [tilespmem:s28+$0x7E30];
	v16 =	vbroadcast v2, $0xC;
	[tilespmem:s28+$0x7DC0] =	vst v3;
	v3 =	vmul.f32 v61, v55  }
0xb2: {  	v18 =	vmul.f32 v62, v55;
	[tilespmem:s28+$0x7DD0] =	vst v14;
	v19 =	vld [tilespmem:s28+$0x7E40]  }
0xb3: {  	v20 =	vld [tilespmem:s28+$0x7E50];
	[tilespmem:s28+$0x7DE0] =	vst v3;
	v3 =	vmul.f32 v12, v16  }
0xb4: {  	[tilespmem:s28+$0x7DF0] =	vst v18;
	v22 =	vld [tilespmem:s28+$0x7E60];
	v21 =	vmul.f32 v13, v16  }
0xb5: {  	v23 =	vld [tilespmem:s28+$0x7E70];
	[tilespmem:s28+$0x7E00] =	vst v3;
	v3 =	vmul.f32 v15, v16  }
0xb6: {  	v24 =	vmul.f32 v17, v16;
	v25 =	vld [tilespmem:s28+$0x7E80];
	[tilespmem:s28+$0x7E10] =	vst v21  }
0xb7: {  	v26 =	vld [tilespmem:s28+$0x7E90];
	[tilespmem:s28+$0x7E20] =	vst v3;
	v3 =	vmul.f32 v19, v16  }
0xb8: {  	v27 =	vmul.f32 v20, v16;
	[tilespmem:s28+$0x7E30] =	vst v24;
	v28 =	vld [tilespmem:s28+$0x7EA0]  }
0xb9: {  	v30 =	vld [tilespmem:s28+$0x7EB0];
	v29 =	vbroadcast v2, $0xD;
	[tilespmem:s28+$0x7E40] =	vst v3;
	v3 =	vmul.f32 v22, v16  }
0xba: {  	v31 =	vmul.f32 v23, v16;
	[tilespmem:s28+$0x7E50] =	vst v27;
	v32 =	vld [tilespmem:s28+$0x7EC0]  }
0xbb: {  	v33 =	vld [tilespmem:s28+$0x7ED0];
	[tilespmem:s28+$0x7E60] =	vst v3;
	v3 =	vmul.f32 v25, v29  }
0xbc: {  	[tilespmem:s28+$0x7E70] =	vst v31;
	v35 =	vld [tilespmem:s28+$0x7EE0];
	v34 =	vmul.f32 v26, v29  }
0xbd: {  	v36 =	vld [tilespmem:s28+$0x7EF0];
	[tilespmem:s28+$0x7E80] =	vst v3;
	v3 =	vmul.f32 v28, v29  }
0xbe: {  	v37 =	vmul.f32 v30, v29;
	v38 =	vld [tilespmem:s28+$0x7F00];
	[tilespmem:s28+$0x7E90] =	vst v34  }
0xbf: {  	v39 =	vld [tilespmem:s28+$0x7F10];
	[tilespmem:s28+$0x7EA0] =	vst v3;
	v3 =	vmul.f32 v32, v29  }
0xc0: {  	v40 =	vmul.f32 v33, v29;
	[tilespmem:s28+$0x7EB0] =	vst v37;
	v41 =	vld [tilespmem:s28+$0x7F20]  }
0xc1: {  	v43 =	vld [tilespmem:s28+$0x7F30];
	v42 =	vbroadcast v2, $0xE;
	[tilespmem:s28+$0x7EC0] =	vst v3;
	v3 =	vmul.f32 v35, v29  }
0xc2: {  	v44 =	vmul.f32 v36, v29;
	[tilespmem:s28+$0x7ED0] =	vst v40;
	v45 =	vld [tilespmem:s28+$0x7F40]  }
0xc3: {  	v46 =	vld [tilespmem:s28+$0x7F50];
	[tilespmem:s28+$0x7EE0] =	vst v3;
	v3 =	vmul.f32 v38, v42  }
0xc4: {  	[tilespmem:s28+$0x7EF0] =	vst v44;
	v48 =	vld [tilespmem:s28+$0x7F60];
	v47 =	vmul.f32 v39, v42  }
0xc5: {  	v49 =	vld [tilespmem:s28+$0x7F70];
	[tilespmem:s28+$0x7F00] =	vst v3;
	v3 =	vmul.f32 v41, v42  }
0xc6: {  	v50 =	vmul.f32 v43, v42;
	v51 =	vld [tilespmem:s28+$0x7F80];
	[tilespmem:s28+$0x7F10] =	vst v47  }
0xc7: {  	v52 =	vld [tilespmem:s28+$0x7F90];
	[tilespmem:s28+$0x7F20] =	vst v3;
	v3 =	vmul.f32 v45, v42  }
0xc8: {  	v53 =	vmul.f32 v46, v42;
	[tilespmem:s28+$0x7F30] =	vst v50;
	v54 =	vld [tilespmem:s28+$0x7FA0]  }
0xc9: {  	v2 =	vbroadcast v2, $0xF;
	v58 =	vld [tilespmem:s28+$0x7FD0];
	[tilespmem:s28+$0x7F40] =	vst v3;
	v3 =	vmul.f32 v48, v42  }
0xca: {  	v57 =	vld [tilespmem:s28+$0x7FC0];
	v56 =	vmul.f32 v49, v42;
	[tilespmem:s28+$0x7F50] =	vst v53  }
0xcb: {  	v55 =	vld [tilespmem:s28+$0x7FB0];
	[tilespmem:s28+$0x7F60] =	vst v3;
	v3 =	vmul.f32 v51, v2  }
0xcc: {  	v60 =	vld [tilespmem:s28+$0x7FE0];
	v59 =	vmul.f32 v52, v2;
	[tilespmem:s28+$0x7F70] =	vst v56  }
0xcd: {  	v61 =	vld [tilespmem:s28+$0x7FF0];
	[tilespmem:s28+$0x7F80] =	vst v3;
	v3 =	vmul.f32 v54, v2  }
0xce: {  	[tilespmem:s28+$0x7F90] =	vst v59;
	v63 =	vmul.f32 v58, v2  }
0xcf: {  	p0 =	sne.s32 s26, $0x7;
	[tilespmem:s28+$0x7FA0] =	vst v3;
	v3 =	vmul.f32 v57, v2  }
.Ltmp1:
0xd0: {  	v62 =	vmul.f32 v55, v2;
	[tilespmem:s28+$0x7FD0] =	vst v63;
	(pc) =	sbr.rel @p0 .LBB2_5-.Ltmp1, $4  }
0xd1: {  	[tilespmem:s28+$0x7FC0] =	vst v3;
	v3 =	vmul.f32 v60, v2  }
0xd2: {  	[tilespmem:s28+$0x7FB0] =	vst v62;
	v2 =	vmul.f32 v61, v2  }
0xd3: {  	[tilespmem:s28+$0x7FE0] =	vst v3  }
0xd4: {  	s26 =	sadd.s32 $0x1, s26;
	[tilespmem:s28+$0x7FF0] =	vst v2  }
0xd5: {  	s24 =	sadd.s32 $0x1, s24  }
0xd6: {  	p0 =	sne.s32 s24, $0x4F  }
.Ltmp2:
0xd7: {  	_ = 	snop;
	(pc) =	sbr.rel @p0 .LBB2_4-.Ltmp2, $4  }
0xd8: {  	[spmem:s3] =	stream.indirect.scatter.add.f32 [tilespmem:s18], [sflag:$0x2], $0x80, s25, s19, $0xb8;
	[tilespmem:$0x1F400] =	vst v63  }
0xd9: {  	_ =	swait.ge [sflag:s15], $0x4000  }
0xda: {  	[sflag:s15] =	ssyncset.done $0x0  }
0xdb: {  	[sflag:s15] =	ssyncadd.s32 $0xFFFFC000  }
0xdc: {  	s23 =	sadd.s32 $0x1, s23  }
0xdd: {  	p0 =	sne.s32 s23, s14  }
.Ltmp3:
0xde: {  	[bflag:$0x0] =	sbarrier.arrive $0xFFFF;
	(pc) =	sbr.rel @p0 .LBB2_1-.Ltmp3, $4  }
0xdf: {  	[hbm:s13], [sflag:s21] =	dma.local [spmem:s22], $0x2780  }
0xe0: {  	_ =	swait.ge [sflag:s15], $0x2780  }
0xe1: {  	[sflag:s15] =	ssyncset.done $0x0  }
0xe2: {  	[sflag:s15] =	ssyncadd.s32 $0xFFFFD880  }
0xe3: {  	_ =	sfence.sel $0x180000  }
0xe4: {  	[bflag:$0x0] =	sbarrier.arrive $0xFFFF  }
0xe5: {  	p0 =	sne.s32 s2, $0x0;
	_ =	strace $0x90000047  }
0xe6: {  	s0 =	sadd.s32 @!p0 $0x100000, s0;
	[bflag:$0x2] =	sbarrier.arrive $0xFFFF  }
0xe7: {  	[sflag:s0] =	ssyncadd.tile.s32 @!p0 $0x1;
	_ =	shalt  }
.Lfunc_end2:
_tile_overlayer_lowered:
.L_overlay_start_2:
0xe8: {  	(tag) =	ssettag $0x2  }
0xe9: {  	s0 =	rddreg [dreg:$0x0];
	s2 =	stileid.u32  }
0xea: {  	s1 =	rddreg [dreg:$0x1];
	p0 =	sne.s32 s2, $0x0  }
0xeb: {  	s3 =	rddreg [dreg:$0x2];
	[bflag:$0x3] =	sbarrier.arrive $0xFFFF;
	s2 =	simm.s32 @!p0 $0x1C02  }
0xec: {  	[timem:s3], [sflag:s2] =	dma.local @!p0 [hbm:s0], s1  }
0xed: {  	s0 =	simm.s32 @!p0 $0x2  }
0xee: {  	_ =	swait.ge @!p0 [sflag:s0], s1  }
0xef: {  	s1 =	ssub.s32 @!p0 $0x0, s1;
	[sflag:s0] =	ssyncset.done @!p0 $0x0  }
0xf0: {  	[sflag:s0] =	ssyncadd.s32 @!p0 s1  }
0xf1: {  	[bflag:$0x3] =	sbarrier.arrive $0xFFFF  }
0xf2: {  	_ =	shalt  }

</sc_bundles>
